<compile_context>
chip_gen: v7x
topology: tpu7x:2x2x1
jax: 0.10.2.dev20260603
libtpu: 0.0.44.dev20260713+nightly
codegen_flags: <defaults>
</compile_context>

<pallas_src>
import functools

import jax
import jax.numpy as jnp
from jax import lax
from jax.experimental import pallas as pl
from jax.experimental.pallas import tpu as pltpu
from jax.experimental.pallas import tpu_sc as plsc

N = 10000
E = 320000
D = 128
K = 16

NC = 2
NS = 16
NW = NC * NS
CHUNK = 80
EDGES_PER_TILE = E // NW
NCHUNKS = EDGES_PER_TILE // CHUNK
SUPER = 25
NSUPER = NCHUNKS // SUPER
NPAD = 10240
ROWS_PER_TILE = NPAD // NS

_SELU_SCALE = 1.0507009873554805
_SELU_ALPHA = 1.6732632423543772


def _selu(x):
    safe = jnp.minimum(x, 0.0)
    return _SELU_SCALE * jnp.where(x > 0, x, _SELU_ALPHA * (jnp.exp(safe) - 1.0))


def _sc_segment_sum(y, edges_r):
    mesh = plsc.VectorSubcoreMesh(core_axis_name="c", subcore_axis_name="s")

    @functools.partial(
        pl.kernel,
        mesh=mesh,
        out_type=jax.ShapeDtypeStruct((NC, NPAD, D), jnp.float32),
        scratch_types=[
            pltpu.VMEM((SUPER, CHUNK), jnp.int32),
            pltpu.VMEM((SUPER, CHUNK), jnp.int32),
            pltpu.VMEM((SUPER, CHUNK), jnp.int32),
            pltpu.VMEM((SUPER, CHUNK), jnp.int32),
            pltpu.VMEM((CHUNK, D), jnp.float32),
            pltpu.VMEM((CHUNK, D), jnp.float32),
            pltpu.VMEM_SHARED((NPAD, D), jnp.float32),
            pltpu.SemaphoreType.DMA,
            pltpu.SemaphoreType.DMA,
            pltpu.SemaphoreType.DMA,
            pltpu.SemaphoreType.DMA,
        ],
    )
    def k(y_hbm, e_hbm, out_hbm, src_a, src_b, dst_a, dst_b,
          rows0, rows1, acc_sh, gsem0, gsem1, isem_a, isem_b):
        cid = lax.axis_index("c")
        sid = lax.axis_index("s")
        wid = cid * NS + sid
        r0 = sid * ROWS_PER_TILE
        @pl.loop(0, CHUNK)
        def _(r):
            @pl.loop(0, D // 16)
            def _(c):
                rows0[r, pl.ds(c * 16, 16)] = jnp.zeros((16,), jnp.float32)

        @pl.loop(0, ROWS_PER_TILE // CHUNK)
        def _(i):
            pltpu.sync_copy(rows0, acc_sh.at[pl.ds(r0 + i * CHUNK, CHUNK)])

        def idx_bufs(s):
            return (src_a, dst_a, isem_a) if s % 2 == 0 else \
                   (src_b, dst_b, isem_b)

        s0, d0, i0 = idx_bufs(0)
        pltpu.async_copy(e_hbm.at[0, wid, 0], s0, i0)
        pltpu.async_copy(e_hbm.at[1, wid, 0], d0, i0)
        plsc.subcore_barrier()

        for s in range(NSUPER):
            src_s, dst_s, is_s = idx_bufs(s)
            pltpu.make_async_copy(e_hbm.at[0, wid, s], src_s, is_s).wait()
            pltpu.make_async_copy(e_hbm.at[1, wid, s], dst_s, is_s).wait()
            if s + 1 < NSUPER:
                sn, dn, i_n = idx_bufs(s + 1)
                pltpu.async_copy(e_hbm.at[0, wid, s + 1], sn, i_n)
                pltpu.async_copy(e_hbm.at[1, wid, s + 1], dn, i_n)

            pltpu.async_copy(y_hbm.at[src_s.at[0]], rows0, gsem0)

            @pl.loop(0, SUPER - 1, step=2)
            def _(j):
                pltpu.async_copy(y_hbm.at[src_s.at[j + 1]], rows1, gsem1)
                pltpu.make_async_copy(y_hbm.at[src_s.at[j]], rows0,
                                      gsem0).wait()
                pltpu.sync_copy(rows0, acc_sh.at[dst_s.at[j]], add=True)
                pltpu.async_copy(y_hbm.at[src_s.at[j + 2]], rows0, gsem0)
                pltpu.make_async_copy(y_hbm.at[src_s.at[j + 1]], rows1,
                                      gsem1).wait()
                pltpu.sync_copy(rows1, acc_sh.at[dst_s.at[j + 1]], add=True)

            pltpu.make_async_copy(y_hbm.at[src_s.at[SUPER - 1]], rows0,
                                  gsem0).wait()
            pltpu.sync_copy(rows0, acc_sh.at[dst_s.at[SUPER - 1]], add=True)

        plsc.subcore_barrier()
        pltpu.sync_copy(acc_sh.at[pl.ds(r0, ROWS_PER_TILE)],
                        out_hbm.at[cid, pl.ds(r0, ROWS_PER_TILE)])

    return k(y, edges_r)


_RB2 = 2000
_GB = N // _RB2


def _epilogue_body(x_ref, p0_ref, p1_ref, w_ref, sw_ref, b_ref, wt_ref,
                   bt_ref, a_ref, pooled_ref, s_ref, sz_ref):
    i = pl.program_id(0)

    @pl.when(i == 0)
    def _():
        s_ref[...] = jnp.zeros_like(s_ref)
        sz_ref[...] = jnp.zeros_like(sz_ref)

    y = jnp.dot(x_ref[...], w_ref[...], preferred_element_type=jnp.float32)
    agg = jnp.dot(p0_ref[0] + p1_ref[0], w_ref[...],
                  preferred_element_type=jnp.float32)
    h = _selu(y * sw_ref[...] + agg + b_ref[...])
    logits = jnp.dot(h, wt_ref[...],
                     preferred_element_type=jnp.float32) + bt_ref[...]
    m = jnp.max(logits, axis=-1, keepdims=True)
    e = jnp.exp(logits - m)
    a = e / jnp.sum(e, axis=-1, keepdims=True)
    a_ref[...] = a
    s_ref[...] += lax.dot_general(a, h, (((0,), (0,)), ((), ())),
                                  preferred_element_type=jnp.float32)
    ones = jnp.ones((_RB2, D), jnp.float32)
    sz_ref[...] += lax.dot_general(a, ones, (((0,), (0,)), ((), ())),
                                   preferred_element_type=jnp.float32)

    @pl.when(i == _GB - 1)
    def _():
        pooled_ref[...] = _selu(s_ref[...] / sz_ref[...])


def _epilogue(x, partials, W, skip_w, b, Wt, bt):
    a, pooled = pl.pallas_call(
        _epilogue_body,
        grid=(_GB,),
        in_specs=[
            pl.BlockSpec((_RB2, D), lambda i: (i, 0)),
            pl.BlockSpec((1, _RB2, D), lambda i: (0, i, 0)),
            pl.BlockSpec((1, _RB2, D), lambda i: (1, i, 0)),
            pl.BlockSpec((D, D), lambda i: (0, 0)),
            pl.BlockSpec((1, D), lambda i: (0, 0)),
            pl.BlockSpec((1, D), lambda i: (0, 0)),
            pl.BlockSpec((D, K), lambda i: (0, 0)),
            pl.BlockSpec((1, K), lambda i: (0, 0)),
        ],
        out_specs=[
            pl.BlockSpec((_RB2, K), lambda i: (i, 0)),
            pl.BlockSpec((K, D), lambda i: (0, 0)),
        ],
        out_shape=[
            jax.ShapeDtypeStruct((N, K), jnp.float32),
            jax.ShapeDtypeStruct((K, D), jnp.float32),
        ],
        scratch_shapes=[
            pltpu.VMEM((K, D), jnp.float32),
            pltpu.VMEM((K, D), jnp.float32),
        ],
    )(x, partials, partials, W, skip_w.reshape(1, D), b.reshape(1, D), Wt,
      bt.reshape(1, K))
    return pooled, a


def kernel(features, edges, adjacency, W, b, skip_w, Wt, bt):
    edges_r = edges.reshape(2, NW, NSUPER, SUPER, CHUNK)
    partials = _sc_segment_sum(features, edges_r)
    pooled, a = _epilogue(features, partials, W, skip_w, b, Wt, bt)
    return pooled, a

# --- scband reference (transcript-rebuilt; emitter-appended) ---
"""Pipeline reference for scband-my-model-1675037246075 (READ-ONLY COPY).

The authoritative reference and input builder live on the scoring server;
editing this copy changes nothing except your own understanding.
"""

import jax, jax.numpy as jnp
import numpy as np

N = 10000
E = 320000
D = 128
K = 16


def setup_inputs(seed: int = 0) -> dict:
    key = jax.random.key(seed)
    ks = jax.random.split(key, 8)
    features = jax.random.normal(ks[0], (N, D), dtype=jnp.float32)
    edges = jax.random.randint(ks[1], (2, E), 0, N, dtype=jnp.int32)
    adjacency = jax.random.randint(ks[2], (2, E), 0, N, dtype=jnp.int32)
    # GCN (skip-connection variant, as in DMoN reference implementation)
    W = jax.random.normal(ks[3], (D, D), dtype=jnp.float32) * (1.0 / np.sqrt(D))
    b = jnp.zeros((D,), dtype=jnp.float32)
    skip_w = jnp.ones((D,), dtype=jnp.float32)
    # DMoN transform: Dense(n_clusters)
    Wt = jax.random.normal(ks[4], (D, K), dtype=jnp.float32) * (1.0 / np.sqrt(D))
    bt = jnp.zeros((K,), dtype=jnp.float32)
    return {"features": features, "edges": edges, "adjacency": adjacency,
            "W": W, "b": b, "skip_w": skip_w, "Wt": Wt, "bt": bt}


def reference(features, edges, adjacency, W, b, skip_w, Wt, bt):
    # ---- GCN layer with skip connection ----
    y = features @ W                                   # [N, D]
    msg = jnp.take(y, edges[0], axis=0)                # gather over src nodes [E, D]
    agg = jax.ops.segment_sum(msg, edges[1], num_segments=N)  # scatter-add to dst [N, D]
    h = jax.nn.selu(y * skip_w + agg + b)              # [N, D]
    # ---- DMoN pooling ----
    logits = h @ Wt + bt                               # [N, K]
    assignments = jax.nn.softmax(logits, axis=-1)      # [N, K]
    cluster_sizes = jnp.sum(assignments, axis=0)       # [K]
    assignments_pooling = assignments / cluster_sizes  # [N, K]
    pooled = jax.nn.selu(assignments_pooling.T @ h)    # [K, D]
    return pooled, assignments

if __name__ == "__main__":
    import jax
    _d = setup_inputs()
    print(jax.jit(kernel)(*tuple(_d.values())))

</pallas_src>

<mosaic_0001>
#map = affine_map<(d0, d1) -> (0, 0)>
#map1 = affine_map<(d0, d1) -> (0, 0, 0, 0, 0)>
#map2 = affine_map<(d0, d1) -> (0, 0, 0)>
module attributes {stable_mosaic.version = 14 : i64} {
  func.func @k(%arg0: i32, %arg1: i32, %arg2: memref<10000x128xf32, #tpu.memory_space<hbm>>, %arg3: memref<2x32x5x25x80xi32, #tpu.memory_space<hbm>>, %arg4: memref<2x10240x128xf32, #tpu.memory_space<hbm>>, %arg5: memref<25x80xi32, #tpu.memory_space<vmem>>, %arg6: memref<25x80xi32, #tpu.memory_space<vmem>>, %arg7: memref<25x80xi32, #tpu.memory_space<vmem>>, %arg8: memref<25x80xi32, #tpu.memory_space<vmem>>, %arg9: memref<80x128xf32, #tpu.memory_space<vmem>>, %arg10: memref<80x128xf32, #tpu.memory_space<vmem>>, %arg11: memref<10240x128xf32, #tpu.memory_space<vmem_shared>>, %arg12: memref<!tpu.dma_semaphore, #tpu.memory_space<semaphore_mem>>, %arg13: memref<!tpu.dma_semaphore, #tpu.memory_space<semaphore_mem>>, %arg14: memref<!tpu.dma_semaphore, #tpu.memory_space<semaphore_mem>>, %arg15: memref<!tpu.dma_semaphore, #tpu.memory_space<semaphore_mem>>) attributes {dimension_semantics = [#tpu.dimension_semantics<core_parallel>, #tpu.dimension_semantics<subcore_parallel>], iteration_bounds = array<i64: 2, 16>, scalar_prefetch = 0 : i64, scratch_operands = 11 : i64, tpu.core_type = #tpu.core_type<sc_vector_subcore>, window_params = [{transform_indices = #map}, {transform_indices = #map1}, {transform_indices = #map2}]} {
    %mul3A = arith.constant 16 : i32
    %mul3A_0 = arith.muli %arg0, %mul3A : i32
    %add3A = arith.addi %mul3A_0, %arg1 : i32
    %mul3A_1 = arith.constant 640 : i32
    %mul3A_2 = arith.muli %arg1, %mul3A_1 : i32
    %scan3A = arith.constant 0 : i32
    %scan3A_3 = arith.constant 80 : i32
    %scan3A_4 = arith.addi %scan3A, %scan3A_3 : i32
    %scan3A_5 = arith.constant 1 : i32
    scf.for %scan3A_310 = %scan3A to %scan3A_4 step %scan3A_5  : i32 {
      %mul3A_311 = arith.constant 1 : i32
      %mul3A_312 = arith.muli %scan3A_310, %mul3A_311 : i32
      %add3A_313 = arith.constant 0 : i32
      %add3A_314 = arith.addi %add3A_313, %mul3A_312 : i32
      %scan3A_315 = arith.constant 0 : i32
      %scan3A_316 = arith.constant 8 : i32
      %scan3A_317 = arith.addi %scan3A_315, %scan3A_316 : i32
      %scan3A_318 = arith.constant 1 : i32
      scf.for %scan3A_320 = %scan3A_315 to %scan3A_317 step %scan3A_318  : i32 {
        %mul3A_321 = arith.constant 1 : i32
        %mul3A_322 = arith.muli %scan3A_320, %mul3A_321 : i32
        %add3A_323 = arith.constant 0 : i32
        %add3A_324 = arith.addi %add3A_323, %mul3A_322 : i32
        %broadcast_in_dim3A = arith.constant 0.000000e+00 : f32
        %broadcast_in_dim3A_325 = vector.broadcast %broadcast_in_dim3A : f32 to vector<16xf32>
        %mul3A_326 = arith.constant 16 : i32
        %mul3A_327 = arith.muli %add3A_324, %mul3A_326 : i32
        %swap3A = arith.index_cast %add3A_314 : i32 to index
        %swap3A_328 = arith.index_cast %mul3A_327 : i32 to index
        %swap3A_329 = tpu.vector_load %arg9[%swap3A, %swap3A_328] {strides = array<i32>} : memref<80x128xf32, #tpu.memory_space<vmem>>, vector<1x16xf32>,
        %swap3A_330 = vector.shape_cast %swap3A_329 : vector<1x16xf32> to vector<16xf32>
        %swap3A_331 = vector.shape_cast %broadcast_in_dim3A_325 : vector<16xf32> to vector<1x16xf32>
        tpu.vector_store %arg9[%swap3A, %swap3A_328], %swap3A_331 {strides = array<i32>} : memref<80x128xf32, #tpu.memory_space<vmem>>, vector<1x16xf32>,
      }
      %scan3A_319 = arith.constant 8 : i32
    }
    %scan3A_6 = arith.constant 80 : i32
    %scan3A_7 = arith.constant 0 : i32
    %scan3A_8 = arith.constant 8 : i32
    %scan3A_9 = arith.addi %scan3A_7, %scan3A_8 : i32
    %scan3A_10 = arith.constant 1 : i32
    scf.for %scan3A_310 = %scan3A_7 to %scan3A_9 step %scan3A_10  : i32 {
      %mul3A_311 = arith.constant 1 : i32
      %mul3A_312 = arith.muli %scan3A_310, %mul3A_311 : i32
      %add3A_313 = arith.constant 0 : i32
      %add3A_314 = arith.addi %add3A_313, %mul3A_312 : i32
      %mul3A_315 = arith.constant 80 : i32
      %mul3A_316 = arith.muli %add3A_314, %mul3A_315 : i32
      %add3A_317 = arith.addi %mul3A_2, %mul3A_316 : i32
      "tpu.region"() ({
        %run_scoped3A_318 = tpu.sem_alloc : memref<!tpu.dma_semaphore, #tpu.memory_space<semaphore_mem>>
        %dma_start3A_319 = arith.constant 0 : i32
        %dma_start3A_320 = tpu.memref_slice %arg11[%add3A_317, %dma_start3A_319] : memref<10240x128xf32, #tpu.memory_space<vmem_shared>> -> memref<80x128xf32, #tpu.memory_space<vmem_shared>>
        %dma_start3A_321 = arith.constant 0 : i32
        %dma_start3A_322 = tpu.memref_slice %arg11[%add3A_317, %dma_start3A_321] : memref<10240x128xf32, #tpu.memory_space<vmem_shared>> -> memref<80x128xf32, #tpu.memory_space<vmem_shared>>
        tpu.enqueue_dma source(%arg9 : memref<80x128xf32, #tpu.memory_space<vmem>>) target(%dma_start3A_322 : memref<80x128xf32, #tpu.memory_space<vmem_shared>>) target_semaphore(%run_scoped3A_318 : memref<!tpu.dma_semaphore, #tpu.memory_space<semaphore_mem>>)
        %dma_wait3A_323 = arith.constant 0 : i32
        %dma_wait3A_324 = tpu.memref_slice %arg11[%add3A_317, %dma_wait3A_323] : memref<10240x128xf32, #tpu.memory_space<vmem_shared>> -> memref<80x128xf32, #tpu.memory_space<vmem_shared>>
        %dma_wait3A_325 = arith.constant 0 : i32
        %dma_wait3A_326 = tpu.memref_slice %arg11[%add3A_317, %dma_wait3A_325] : memref<10240x128xf32, #tpu.memory_space<vmem_shared>> -> memref<80x128xf32, #tpu.memory_space<vmem_shared>>
        tpu.wait_dma2 semaphore(%run_scoped3A_318 : memref<!tpu.dma_semaphore, #tpu.memory_space<semaphore_mem>>) src(%arg9 : memref<80x128xf32, #tpu.memory_space<vmem>>) dst(%dma_wait3A_326 : memref<80x128xf32, #tpu.memory_space<vmem_shared>>)
        tpu.yield
      }) : () -> ()
    }
    %scan3A_11 = arith.constant 8 : i32
    %dma_start3A = arith.constant 0 : i32
    %dma_start3A_12 = arith.constant 0 : i32
    %dma_start3A_13 = arith.constant 0 : i32
    %dma_start3A_14 = arith.constant 0 : i32
    %dma_start3A_15 = tpu.memref_slice %arg3[%dma_start3A, %add3A, %dma_start3A_12, %dma_start3A_13, %dma_start3A_14] : memref<2x32x5x25x80xi32, #tpu.memory_space<hbm>> -> memref<1x1x1x25x80xi32, #tpu.memory_space<hbm>>
    %dma_start3A_16 = tpu.memref_squeeze %dma_start3A_15 : memref<1x1x1x25x80xi32, #tpu.memory_space<hbm>> -> memref<25x80xi32, #tpu.memory_space<hbm>>
    %dma_start3A_17 = arith.constant 0 : i32
    %dma_start3A_18 = arith.constant 0 : i32
    %dma_start3A_19 = tpu.memref_slice %arg3[%dma_start3A, %add3A, %dma_start3A_12, %dma_start3A_17, %dma_start3A_18] : memref<2x32x5x25x80xi32, #tpu.memory_space<hbm>> -> memref<1x1x1x25x80xi32, #tpu.memory_space<hbm>>
    %dma_start3A_20 = tpu.memref_squeeze %dma_start3A_19 : memref<1x1x1x25x80xi32, #tpu.memory_space<hbm>> -> memref<25x80xi32, #tpu.memory_space<hbm>>
    tpu.enqueue_dma source(%dma_start3A_20 : memref<25x80xi32, #tpu.memory_space<hbm>>) target(%arg5 : memref<25x80xi32, #tpu.memory_space<vmem>>) target_semaphore(%arg14 : memref<!tpu.dma_semaphore, #tpu.memory_space<semaphore_mem>>)
    %dma_start3A_21 = arith.constant 1 : i32
    %dma_start3A_22 = arith.constant 0 : i32
    %dma_start3A_23 = arith.constant 0 : i32
    %dma_start3A_24 = arith.constant 0 : i32
    %dma_start3A_25 = tpu.memref_slice %arg3[%dma_start3A_21, %add3A, %dma_start3A_22, %dma_start3A_23, %dma_start3A_24] : memref<2x32x5x25x80xi32, #tpu.memory_space<hbm>> -> memref<1x1x1x25x80xi32, #tpu.memory_space<hbm>>
    %dma_start3A_26 = tpu.memref_squeeze %dma_start3A_25 : memref<1x1x1x25x80xi32, #tpu.memory_space<hbm>> -> memref<25x80xi32, #tpu.memory_space<hbm>>
    %dma_start3A_27 = arith.constant 0 : i32
    %dma_start3A_28 = arith.constant 0 : i32
    %dma_start3A_29 = tpu.memref_slice %arg3[%dma_start3A_21, %add3A, %dma_start3A_22, %dma_start3A_27, %dma_start3A_28] : memref<2x32x5x25x80xi32, #tpu.memory_space<hbm>> -> memref<1x1x1x25x80xi32, #tpu.memory_space<hbm>>
    %dma_start3A_30 = tpu.memref_squeeze %dma_start3A_29 : memref<1x1x1x25x80xi32, #tpu.memory_space<hbm>> -> memref<25x80xi32, #tpu.memory_space<hbm>>
    tpu.enqueue_dma source(%dma_start3A_30 : memref<25x80xi32, #tpu.memory_space<hbm>>) target(%arg7 : memref<25x80xi32, #tpu.memory_space<vmem>>) target_semaphore(%arg14 : memref<!tpu.dma_semaphore, #tpu.memory_space<semaphore_mem>>)
    %barrier3A = arith.constant 0 : index
    tpu.barrier barrier_id(%barrier3A)
    %dma_wait3A = arith.constant 0 : i32
    %dma_wait3A_31 = arith.constant 0 : i32
    %dma_wait3A_32 = arith.constant 0 : i32
    %dma_wait3A_33 = arith.constant 0 : i32
    %dma_wait3A_34 = tpu.memref_slice %arg3[%dma_wait3A, %add3A, %dma_wait3A_31, %dma_wait3A_32, %dma_wait3A_33] : memref<2x32x5x25x80xi32, #tpu.memory_space<hbm>> -> memref<1x1x1x25x80xi32, #tpu.memory_space<hbm>>
    %dma_wait3A_35 = tpu.memref_squeeze %dma_wait3A_34 : memref<1x1x1x25x80xi32, #tpu.memory_space<hbm>> -> memref<25x80xi32, #tpu.memory_space<hbm>>
    %dma_wait3A_36 = arith.constant 0 : i32
    %dma_wait3A_37 = arith.constant 0 : i32
    %dma_wait3A_38 = tpu.memref_slice %arg3[%dma_wait3A, %add3A, %dma_wait3A_31, %dma_wait3A_36, %dma_wait3A_37] : memref<2x32x5x25x80xi32, #tpu.memory_space<hbm>> -> memref<1x1x1x25x80xi32, #tpu.memory_space<hbm>>
    %dma_wait3A_39 = tpu.memref_squeeze %dma_wait3A_38 : memref<1x1x1x25x80xi32, #tpu.memory_space<hbm>> -> memref<25x80xi32, #tpu.memory_space<hbm>>
    tpu.wait_dma2 semaphore(%arg14 : memref<!tpu.dma_semaphore, #tpu.memory_space<semaphore_mem>>) src(%dma_wait3A_39 : memref<25x80xi32, #tpu.memory_space<hbm>>) dst(%arg5 : memref<25x80xi32, #tpu.memory_space<vmem>>)
    %dma_wait3A_40 = arith.constant 1 : i32
    %dma_wait3A_41 = arith.constant 0 : i32
    %dma_wait3A_42 = arith.constant 0 : i32
    %dma_wait3A_43 = arith.constant 0 : i32
    %dma_wait3A_44 = tpu.memref_slice %arg3[%dma_wait3A_40, %add3A, %dma_wait3A_41, %dma_wait3A_42, %dma_wait3A_43] : memref<2x32x5x25x80xi32, #tpu.memory_space<hbm>> -> memref<1x1x1x25x80xi32, #tpu.memory_space<hbm>>
    %dma_wait3A_45 = tpu.memref_squeeze %dma_wait3A_44 : memref<1x1x1x25x80xi32, #tpu.memory_space<hbm>> -> memref<25x80xi32, #tpu.memory_space<hbm>>
    %dma_wait3A_46 = arith.constant 0 : i32
    %dma_wait3A_47 = arith.constant 0 : i32
    %dma_wait3A_48 = tpu.memref_slice %arg3[%dma_wait3A_40, %add3A, %dma_wait3A_41, %dma_wait3A_46, %dma_wait3A_47] : memref<2x32x5x25x80xi32, #tpu.memory_space<hbm>> -> memref<1x1x1x25x80xi32, #tpu.memory_space<hbm>>
    %dma_wait3A_49 = tpu.memref_squeeze %dma_wait3A_48 : memref<1x1x1x25x80xi32, #tpu.memory_space<hbm>> -> memref<25x80xi32, #tpu.memory_space<hbm>>
    tpu.wait_dma2 semaphore(%arg14 : memref<!tpu.dma_semaphore, #tpu.memory_space<semaphore_mem>>) src(%dma_wait3A_49 : memref<25x80xi32, #tpu.memory_space<hbm>>) dst(%arg7 : memref<25x80xi32, #tpu.memory_space<vmem>>)
    %dma_start3A_50 = arith.constant 0 : i32
    %dma_start3A_51 = arith.constant 1 : i32
    %dma_start3A_52 = arith.constant 0 : i32
    %dma_start3A_53 = arith.constant 0 : i32
    %dma_start3A_54 = tpu.memref_slice %arg3[%dma_start3A_50, %add3A, %dma_start3A_51, %dma_start3A_52, %dma_start3A_53] : memref<2x32x5x25x80xi32, #tpu.memory_space<hbm>> -> memref<1x1x1x25x80xi32, #tpu.memory_space<hbm>>
    %dma_start3A_55 = tpu.memref_squeeze %dma_start3A_54 : memref<1x1x1x25x80xi32, #tpu.memory_space<hbm>> -> memref<25x80xi32, #tpu.memory_space<hbm>>
    %dma_start3A_56 = arith.constant 0 : i32
    %dma_start3A_57 = arith.constant 0 : i32
    %dma_start3A_58 = tpu.memref_slice %arg3[%dma_start3A_50, %add3A, %dma_start3A_51, %dma_start3A_56, %dma_start3A_57] : memref<2x32x5x25x80xi32, #tpu.memory_space<hbm>> -> memref<1x1x1x25x80xi32, #tpu.memory_space<hbm>>
    %dma_start3A_59 = tpu.memref_squeeze %dma_start3A_58 : memref<1x1x1x25x80xi32, #tpu.memory_space<hbm>> -> memref<25x80xi32, #tpu.memory_space<hbm>>
    tpu.enqueue_dma source(%dma_start3A_59 : memref<25x80xi32, #tpu.memory_space<hbm>>) target(%arg6 : memref<25x80xi32, #tpu.memory_space<vmem>>) target_semaphore(%arg15 : memref<!tpu.dma_semaphore, #tpu.memory_space<semaphore_mem>>)
    %dma_start3A_60 = arith.constant 1 : i32
    %dma_start3A_61 = arith.constant 1 : i32
    %dma_start3A_62 = arith.constant 0 : i32
    %dma_start3A_63 = arith.constant 0 : i32
    %dma_start3A_64 = tpu.memref_slice %arg3[%dma_start3A_60, %add3A, %dma_start3A_61, %dma_start3A_62, %dma_start3A_63] : memref<2x32x5x25x80xi32, #tpu.memory_space<hbm>> -> memref<1x1x1x25x80xi32, #tpu.memory_space<hbm>>
    %dma_start3A_65 = tpu.memref_squeeze %dma_start3A_64 : memref<1x1x1x25x80xi32, #tpu.memory_space<hbm>> -> memref<25x80xi32, #tpu.memory_space<hbm>>
    %dma_start3A_66 = arith.constant 0 : i32
    %dma_start3A_67 = arith.constant 0 : i32
    %dma_start3A_68 = tpu.memref_slice %arg3[%dma_start3A_60, %add3A, %dma_start3A_61, %dma_start3A_66, %dma_start3A_67] : memref<2x32x5x25x80xi32, #tpu.memory_space<hbm>> -> memref<1x1x1x25x80xi32, #tpu.memory_space<hbm>>
    %dma_start3A_69 = tpu.memref_squeeze %dma_start3A_68 : memref<1x1x1x25x80xi32, #tpu.memory_space<hbm>> -> memref<25x80xi32, #tpu.memory_space<hbm>>
    tpu.enqueue_dma source(%dma_start3A_69 : memref<25x80xi32, #tpu.memory_space<hbm>>) target(%arg8 : memref<25x80xi32, #tpu.memory_space<vmem>>) target_semaphore(%arg15 : memref<!tpu.dma_semaphore, #tpu.memory_space<semaphore_mem>>)
    %dma_start3A_70 = arith.constant 0 : i32
    %dma_start3A_71 = arith.constant 0 : i32
    %dma_start3A_72 = tpu.memref_slice %arg5[%dma_start3A_70, %dma_start3A_71] : memref<25x80xi32, #tpu.memory_space<vmem>> -> memref<1x80xi32, #tpu.memory_space<vmem>>
    %dma_start3A_73 = tpu.memref_squeeze %dma_start3A_72 : memref<1x80xi32, #tpu.memory_space<vmem>> -> memref<80xi32, #tpu.memory_space<vmem>>
    %dma_start3A_74 = arith.constant 0 : i32
    %dma_start3A_75 = arith.constant 0 : i32
    %dma_start3A_76 = tpu.memref_slice %arg2[%dma_start3A_74, %dma_start3A_75] : memref<10000x128xf32, #tpu.memory_space<hbm>> -> memref<10000x128xf32, #tpu.memory_space<hbm>>
    tpu.enqueue_indirect_dma source(%dma_start3A_76 : memref<10000x128xf32, #tpu.memory_space<hbm>>) target(%arg9 : memref<80x128xf32, #tpu.memory_space<vmem>>) offsets(%dma_start3A_73 : memref<80xi32, #tpu.memory_space<vmem>>) semaphore(%arg12 : memref<!tpu.dma_semaphore, #tpu.memory_space<semaphore_mem>>)
    %scan3A_77 = arith.constant 0 : i32
    %scan3A_78 = arith.constant 12 : i32
    %scan3A_79 = arith.addi %scan3A_77, %scan3A_78 : i32
    %scan3A_80 = arith.constant 1 : i32
    scf.for %scan3A_310 = %scan3A_77 to %scan3A_79 step %scan3A_80  : i32 {
      %mul3A_311 = arith.constant 2 : i32
      %mul3A_312 = arith.muli %scan3A_310, %mul3A_311 : i32
      %add3A_313 = arith.constant 0 : i32
      %add3A_314 = arith.addi %add3A_313, %mul3A_312 : i32
      %add3A_315 = arith.constant 1 : i32
      %add3A_316 = arith.addi %add3A_314, %add3A_315 : i32
      %dma_start3A_317 = arith.constant 0 : i32
      %dma_start3A_318 = tpu.memref_slice %arg5[%add3A_316, %dma_start3A_317] : memref<25x80xi32, #tpu.memory_space<vmem>> -> memref<1x80xi32, #tpu.memory_space<vmem>>
      %dma_start3A_319 = tpu.memref_squeeze %dma_start3A_318 : memref<1x80xi32, #tpu.memory_space<vmem>> -> memref<80xi32, #tpu.memory_space<vmem>>
      %dma_start3A_320 = arith.constant 0 : i32
      %dma_start3A_321 = arith.constant 0 : i32
      %dma_start3A_322 = tpu.memref_slice %arg2[%dma_start3A_320, %dma_start3A_321] : memref<10000x128xf32, #tpu.memory_space<hbm>> -> memref<10000x128xf32, #tpu.memory_space<hbm>>
      tpu.enqueue_indirect_dma source(%dma_start3A_322 : memref<10000x128xf32, #tpu.memory_space<hbm>>) target(%arg10 : memref<80x128xf32, #tpu.memory_space<vmem>>) offsets(%dma_start3A_319 : memref<80xi32, #tpu.memory_space<vmem>>) semaphore(%arg13 : memref<!tpu.dma_semaphore, #tpu.memory_space<semaphore_mem>>)
      %dma_wait3A_323 = arith.constant 0 : i32
      %dma_wait3A_324 = tpu.memref_slice %arg5[%add3A_314, %dma_wait3A_323] : memref<25x80xi32, #tpu.memory_space<vmem>> -> memref<1x80xi32, #tpu.memory_space<vmem>>
      %dma_wait3A_325 = tpu.memref_squeeze %dma_wait3A_324 : memref<1x80xi32, #tpu.memory_space<vmem>> -> memref<80xi32, #tpu.memory_space<vmem>>
      %dma_wait3A_326 = arith.constant 0 : i32
      %dma_wait3A_327 = arith.constant 0 : i32
      %dma_wait3A_328 = tpu.memref_slice %arg2[%dma_wait3A_326, %dma_wait3A_327] : memref<10000x128xf32, #tpu.memory_space<hbm>> -> memref<10000x128xf32, #tpu.memory_space<hbm>>
      tpu.wait_indirect_dma semaphore(%arg12 : memref<!tpu.dma_semaphore, #tpu.memory_space<semaphore_mem>>) src(%dma_wait3A_328 : memref<10000x128xf32, #tpu.memory_space<hbm>>) dst(%arg9 : memref<80x128xf32, #tpu.memory_space<vmem>>)
      "tpu.region"() ({
        %run_scoped3A_347 = tpu.sem_alloc : memref<!tpu.dma_semaphore, #tpu.memory_space<semaphore_mem>>
        %dma_start3A_348 = arith.constant 0 : i32
        %dma_start3A_349 = tpu.memref_slice %arg7[%add3A_314, %dma_start3A_348] : memref<25x80xi32, #tpu.memory_space<vmem>> -> memref<1x80xi32, #tpu.memory_space<vmem>>
        %dma_start3A_350 = tpu.memref_squeeze %dma_start3A_349 : memref<1x80xi32, #tpu.memory_space<vmem>> -> memref<80xi32, #tpu.memory_space<vmem>>
        %dma_start3A_351 = arith.constant 0 : i32
        %dma_start3A_352 = arith.constant 0 : i32
        %dma_start3A_353 = tpu.memref_slice %arg11[%dma_start3A_351, %dma_start3A_352] : memref<10240x128xf32, #tpu.memory_space<vmem_shared>> -> memref<10240x128xf32, #tpu.memory_space<vmem_shared>>
        tpu.enqueue_indirect_dma source(%arg9 : memref<80x128xf32, #tpu.memory_space<vmem>>) target(%dma_start3A_353 : memref<10240x128xf32, #tpu.memory_space<vmem_shared>>) offsets(%dma_start3A_350 : memref<80xi32, #tpu.memory_space<vmem>>) semaphore(%run_scoped3A_347 : memref<!tpu.dma_semaphore, #tpu.memory_space<semaphore_mem>>) {add = true}
        %dma_wait3A_354 = arith.constant 0 : i32
        %dma_wait3A_355 = tpu.memref_slice %arg7[%add3A_314, %dma_wait3A_354] : memref<25x80xi32, #tpu.memory_space<vmem>> -> memref<1x80xi32, #tpu.memory_space<vmem>>
        %dma_wait3A_356 = tpu.memref_squeeze %dma_wait3A_355 : memref<1x80xi32, #tpu.memory_space<vmem>> -> memref<80xi32, #tpu.memory_space<vmem>>
        %dma_wait3A_357 = arith.constant 0 : i32
        %dma_wait3A_358 = arith.constant 0 : i32
        %dma_wait3A_359 = tpu.memref_slice %arg11[%dma_wait3A_357, %dma_wait3A_358] : memref<10240x128xf32, #tpu.memory_space<vmem_shared>> -> memref<10240x128xf32, #tpu.memory_space<vmem_shared>>
        tpu.wait_indirect_dma semaphore(%run_scoped3A_347 : memref<!tpu.dma_semaphore, #tpu.memory_space<semaphore_mem>>) src(%arg9 : memref<80x128xf32, #tpu.memory_space<vmem>>) dst(%dma_wait3A_359 : memref<10240x128xf32, #tpu.memory_space<vmem_shared>>)
        tpu.yield
      }) : () -> ()
      %add3A_329 = arith.constant 2 : i32
      %add3A_330 = arith.addi %add3A_314, %add3A_329 : i32
      %dma_start3A_331 = arith.constant 0 : i32
      %dma_start3A_332 = tpu.memref_slice %arg5[%add3A_330, %dma_start3A_331] : memref<25x80xi32, #tpu.memory_space<vmem>> -> memref<1x80xi32, #tpu.memory_space<vmem>>
      %dma_start3A_333 = tpu.memref_squeeze %dma_start3A_332 : memref<1x80xi32, #tpu.memory_space<vmem>> -> memref<80xi32, #tpu.memory_space<vmem>>
      %dma_start3A_334 = arith.constant 0 : i32
      %dma_start3A_335 = arith.constant 0 : i32
      %dma_start3A_336 = tpu.memref_slice %arg2[%dma_start3A_334, %dma_start3A_335] : memref<10000x128xf32, #tpu.memory_space<hbm>> -> memref<10000x128xf32, #tpu.memory_space<hbm>>
      tpu.enqueue_indirect_dma source(%dma_start3A_336 : memref<10000x128xf32, #tpu.memory_space<hbm>>) target(%arg9 : memref<80x128xf32, #tpu.memory_space<vmem>>) offsets(%dma_start3A_333 : memref<80xi32, #tpu.memory_space<vmem>>) semaphore(%arg12 : memref<!tpu.dma_semaphore, #tpu.memory_space<semaphore_mem>>)
      %add3A_337 = arith.constant 1 : i32
      %add3A_338 = arith.addi %add3A_314, %add3A_337 : i32
      %dma_wait3A_339 = arith.constant 0 : i32
      %dma_wait3A_340 = tpu.memref_slice %arg5[%add3A_338, %dma_wait3A_339] : memref<25x80xi32, #tpu.memory_space<vmem>> -> memref<1x80xi32, #tpu.memory_space<vmem>>
      %dma_wait3A_341 = tpu.memref_squeeze %dma_wait3A_340 : memref<1x80xi32, #tpu.memory_space<vmem>> -> memref<80xi32, #tpu.memory_space<vmem>>
      %dma_wait3A_342 = arith.constant 0 : i32
      %dma_wait3A_343 = arith.constant 0 : i32
      %dma_wait3A_344 = tpu.memref_slice %arg2[%dma_wait3A_342, %dma_wait3A_343] : memref<10000x128xf32, #tpu.memory_space<hbm>> -> memref<10000x128xf32, #tpu.memory_space<hbm>>
      tpu.wait_indirect_dma semaphore(%arg13 : memref<!tpu.dma_semaphore, #tpu.memory_space<semaphore_mem>>) src(%dma_wait3A_344 : memref<10000x128xf32, #tpu.memory_space<hbm>>) dst(%arg10 : memref<80x128xf32, #tpu.memory_space<vmem>>)
      %add3A_345 = arith.constant 1 : i32
      %add3A_346 = arith.addi %add3A_314, %add3A_345 : i32
      "tpu.region"() ({
        %run_scoped3A_347 = tpu.sem_alloc : memref<!tpu.dma_semaphore, #tpu.memory_space<semaphore_mem>>
        %dma_start3A_348 = arith.constant 0 : i32
        %dma_start3A_349 = tpu.memref_slice %arg7[%add3A_346, %dma_start3A_348] : memref<25x80xi32, #tpu.memory_space<vmem>> -> memref<1x80xi32, #tpu.memory_space<vmem>>
        %dma_start3A_350 = tpu.memref_squeeze %dma_start3A_349 : memref<1x80xi32, #tpu.memory_space<vmem>> -> memref<80xi32, #tpu.memory_space<vmem>>
        %dma_start3A_351 = arith.constant 0 : i32
        %dma_start3A_352 = arith.constant 0 : i32
        %dma_start3A_353 = tpu.memref_slice %arg11[%dma_start3A_351, %dma_start3A_352] : memref<10240x128xf32, #tpu.memory_space<vmem_shared>> -> memref<10240x128xf32, #tpu.memory_space<vmem_shared>>
        tpu.enqueue_indirect_dma source(%arg10 : memref<80x128xf32, #tpu.memory_space<vmem>>) target(%dma_start3A_353 : memref<10240x128xf32, #tpu.memory_space<vmem_shared>>) offsets(%dma_start3A_350 : memref<80xi32, #tpu.memory_space<vmem>>) semaphore(%run_scoped3A_347 : memref<!tpu.dma_semaphore, #tpu.memory_space<semaphore_mem>>) {add = true}
        %dma_wait3A_354 = arith.constant 0 : i32
        %dma_wait3A_355 = tpu.memref_slice %arg7[%add3A_346, %dma_wait3A_354] : memref<25x80xi32, #tpu.memory_space<vmem>> -> memref<1x80xi32, #tpu.memory_space<vmem>>
        %dma_wait3A_356 = tpu.memref_squeeze %dma_wait3A_355 : memref<1x80xi32, #tpu.memory_space<vmem>> -> memref<80xi32, #tpu.memory_space<vmem>>
        %dma_wait3A_357 = arith.constant 0 : i32
        %dma_wait3A_358 = arith.constant 0 : i32
        %dma_wait3A_359 = tpu.memref_slice %arg11[%dma_wait3A_357, %dma_wait3A_358] : memref<10240x128xf32, #tpu.memory_space<vmem_shared>> -> memref<10240x128xf32, #tpu.memory_space<vmem_shared>>
        tpu.wait_indirect_dma semaphore(%run_scoped3A_347 : memref<!tpu.dma_semaphore, #tpu.memory_space<semaphore_mem>>) src(%arg10 : memref<80x128xf32, #tpu.memory_space<vmem>>) dst(%dma_wait3A_359 : memref<10240x128xf32, #tpu.memory_space<vmem_shared>>)
        tpu.yield
      }) : () -> ()
    }
    %scan3A_81 = arith.constant 12 : i32
    %dma_wait3A_82 = arith.constant 24 : i32
    %dma_wait3A_83 = arith.constant 0 : i32
    %dma_wait3A_84 = tpu.memref_slice %arg5[%dma_wait3A_82, %dma_wait3A_83] : memref<25x80xi32, #tpu.memory_space<vmem>> -> memref<1x80xi32, #tpu.memory_space<vmem>>
    %dma_wait3A_85 = tpu.memref_squeeze %dma_wait3A_84 : memref<1x80xi32, #tpu.memory_space<vmem>> -> memref<80xi32, #tpu.memory_space<vmem>>
    %dma_wait3A_86 = arith.constant 0 : i32
    %dma_wait3A_87 = arith.constant 0 : i32
    %dma_wait3A_88 = tpu.memref_slice %arg2[%dma_wait3A_86, %dma_wait3A_87] : memref<10000x128xf32, #tpu.memory_space<hbm>> -> memref<10000x128xf32, #tpu.memory_space<hbm>>
    tpu.wait_indirect_dma semaphore(%arg12 : memref<!tpu.dma_semaphore, #tpu.memory_space<semaphore_mem>>) src(%dma_wait3A_88 : memref<10000x128xf32, #tpu.memory_space<hbm>>) dst(%arg9 : memref<80x128xf32, #tpu.memory_space<vmem>>)
    %run_scoped3A = arith.constant 24 : i32
    "tpu.region"() ({
      %run_scoped3A_310 = tpu.sem_alloc : memref<!tpu.dma_semaphore, #tpu.memory_space<semaphore_mem>>
      %dma_start3A_311 = arith.constant 0 : i32
      %dma_start3A_312 = tpu.memref_slice %arg7[%run_scoped3A, %dma_start3A_311] : memref<25x80xi32, #tpu.memory_space<vmem>> -> memref<1x80xi32, #tpu.memory_space<vmem>>
      %dma_start3A_313 = tpu.memref_squeeze %dma_start3A_312 : memref<1x80xi32, #tpu.memory_space<vmem>> -> memref<80xi32, #tpu.memory_space<vmem>>
      %dma_start3A_314 = arith.constant 0 : i32
      %dma_start3A_315 = arith.constant 0 : i32
      %dma_start3A_316 = tpu.memref_slice %arg11[%dma_start3A_314, %dma_start3A_315] : memref<10240x128xf32, #tpu.memory_space<vmem_shared>> -> memref<10240x128xf32, #tpu.memory_space<vmem_shared>>
      tpu.enqueue_indirect_dma source(%arg9 : memref<80x128xf32, #tpu.memory_space<vmem>>) target(%dma_start3A_316 : memref<10240x128xf32, #tpu.memory_space<vmem_shared>>) offsets(%dma_start3A_313 : memref<80xi32, #tpu.memory_space<vmem>>) semaphore(%run_scoped3A_310 : memref<!tpu.dma_semaphore, #tpu.memory_space<semaphore_mem>>) {add = true}
      %dma_wait3A_317 = arith.constant 0 : i32
      %dma_wait3A_318 = tpu.memref_slice %arg7[%run_scoped3A, %dma_wait3A_317] : memref<25x80xi32, #tpu.memory_space<vmem>> -> memref<1x80xi32, #tpu.memory_space<vmem>>
      %dma_wait3A_319 = tpu.memref_squeeze %dma_wait3A_318 : memref<1x80xi32, #tpu.memory_space<vmem>> -> memref<80xi32, #tpu.memory_space<vmem>>
      %dma_wait3A_320 = arith.constant 0 : i32
      %dma_wait3A_321 = arith.constant 0 : i32
      %dma_wait3A_322 = tpu.memref_slice %arg11[%dma_wait3A_320, %dma_wait3A_321] : memref<10240x128xf32, #tpu.memory_space<vmem_shared>> -> memref<10240x128xf32, #tpu.memory_space<vmem_shared>>
      tpu.wait_indirect_dma semaphore(%run_scoped3A_310 : memref<!tpu.dma_semaphore, #tpu.memory_space<semaphore_mem>>) src(%arg9 : memref<80x128xf32, #tpu.memory_space<vmem>>) dst(%dma_wait3A_322 : memref<10240x128xf32, #tpu.memory_space<vmem_shared>>)
      tpu.yield
    }) : () -> ()
    %dma_wait3A_89 = arith.constant 0 : i32
    %dma_wait3A_90 = arith.constant 1 : i32
    %dma_wait3A_91 = arith.constant 0 : i32
    %dma_wait3A_92 = arith.constant 0 : i32
    %dma_wait3A_93 = tpu.memref_slice %arg3[%dma_wait3A_89, %add3A, %dma_wait3A_90, %dma_wait3A_91, %dma_wait3A_92] : memref<2x32x5x25x80xi32, #tpu.memory_space<hbm>> -> memref<1x1x1x25x80xi32, #tpu.memory_space<hbm>>
    %dma_wait3A_94 = tpu.memref_squeeze %dma_wait3A_93 : memref<1x1x1x25x80xi32, #tpu.memory_space<hbm>> -> memref<25x80xi32, #tpu.memory_space<hbm>>
    %dma_wait3A_95 = arith.constant 0 : i32
    %dma_wait3A_96 = arith.constant 0 : i32
    %dma_wait3A_97 = tpu.memref_slice %arg3[%dma_wait3A_89, %add3A, %dma_wait3A_90, %dma_wait3A_95, %dma_wait3A_96] : memref<2x32x5x25x80xi32, #tpu.memory_space<hbm>> -> memref<1x1x1x25x80xi32, #tpu.memory_space<hbm>>
    %dma_wait3A_98 = tpu.memref_squeeze %dma_wait3A_97 : memref<1x1x1x25x80xi32, #tpu.memory_space<hbm>> -> memref<25x80xi32, #tpu.memory_space<hbm>>
    tpu.wait_dma2 semaphore(%arg15 : memref<!tpu.dma_semaphore, #tpu.memory_space<semaphore_mem>>) src(%dma_wait3A_98 : memref<25x80xi32, #tpu.memory_space<hbm>>) dst(%arg6 : memref<25x80xi32, #tpu.memory_space<vmem>>)
    %dma_wait3A_99 = arith.constant 1 : i32
    %dma_wait3A_100 = arith.constant 1 : i32
    %dma_wait3A_101 = arith.constant 0 : i32
    %dma_wait3A_102 = arith.constant 0 : i32
    %dma_wait3A_103 = tpu.memref_slice %arg3[%dma_wait3A_99, %add3A, %dma_wait3A_100, %dma_wait3A_101, %dma_wait3A_102] : memref<2x32x5x25x80xi32, #tpu.memory_space<hbm>> -> memref<1x1x1x25x80xi32, #tpu.memory_space<hbm>>
    %dma_wait3A_104 = tpu.memref_squeeze %dma_wait3A_103 : memref<1x1x1x25x80xi32, #tpu.memory_space<hbm>> -> memref<25x80xi32, #tpu.memory_space<hbm>>
    %dma_wait3A_105 = arith.constant 0 : i32
    %dma_wait3A_106 = arith.constant 0 : i32
    %dma_wait3A_107 = tpu.memref_slice %arg3[%dma_wait3A_99, %add3A, %dma_wait3A_100, %dma_wait3A_105, %dma_wait3A_106] : memref<2x32x5x25x80xi32, #tpu.memory_space<hbm>> -> memref<1x1x1x25x80xi32, #tpu.memory_space<hbm>>
    %dma_wait3A_108 = tpu.memref_squeeze %dma_wait3A_107 : memref<1x1x1x25x80xi32, #tpu.memory_space<hbm>> -> memref<25x80xi32, #tpu.memory_space<hbm>>
    tpu.wait_dma2 semaphore(%arg15 : memref<!tpu.dma_semaphore, #tpu.memory_space<semaphore_mem>>) src(%dma_wait3A_108 : memref<25x80xi32, #tpu.memory_space<hbm>>) dst(%arg8 : memref<25x80xi32, #tpu.memory_space<vmem>>)
    %dma_start3A_109 = arith.constant 0 : i32
    %dma_start3A_110 = arith.constant 2 : i32
    %dma_start3A_111 = arith.constant 0 : i32
    %dma_start3A_112 = arith.constant 0 : i32
    %dma_start3A_113 = tpu.memref_slice %arg3[%dma_start3A_109, %add3A, %dma_start3A_110, %dma_start3A_111, %dma_start3A_112] : memref<2x32x5x25x80xi32, #tpu.memory_space<hbm>> -> memref<1x1x1x25x80xi32, #tpu.memory_space<hbm>>
    %dma_start3A_114 = tpu.memref_squeeze %dma_start3A_113 : memref<1x1x1x25x80xi32, #tpu.memory_space<hbm>> -> memref<25x80xi32, #tpu.memory_space<hbm>>
    %dma_start3A_115 = arith.constant 0 : i32
    %dma_start3A_116 = arith.constant 0 : i32
    %dma_start3A_117 = tpu.memref_slice %arg3[%dma_start3A_109, %add3A, %dma_start3A_110, %dma_start3A_115, %dma_start3A_116] : memref<2x32x5x25x80xi32, #tpu.memory_space<hbm>> -> memref<1x1x1x25x80xi32, #tpu.memory_space<hbm>>
    %dma_start3A_118 = tpu.memref_squeeze %dma_start3A_117 : memref<1x1x1x25x80xi32, #tpu.memory_space<hbm>> -> memref<25x80xi32, #tpu.memory_space<hbm>>
    tpu.enqueue_dma source(%dma_start3A_118 : memref<25x80xi32, #tpu.memory_space<hbm>>) target(%arg5 : memref<25x80xi32, #tpu.memory_space<vmem>>) target_semaphore(%arg14 : memref<!tpu.dma_semaphore, #tpu.memory_space<semaphore_mem>>)
    %dma_start3A_119 = arith.constant 1 : i32
    %dma_start3A_120 = arith.constant 2 : i32
    %dma_start3A_121 = arith.constant 0 : i32
    %dma_start3A_122 = arith.constant 0 : i32
    %dma_start3A_123 = tpu.memref_slice %arg3[%dma_start3A_119, %add3A, %dma_start3A_120, %dma_start3A_121, %dma_start3A_122] : memref<2x32x5x25x80xi32, #tpu.memory_space<hbm>> -> memref<1x1x1x25x80xi32, #tpu.memory_space<hbm>>
    %dma_start3A_124 = tpu.memref_squeeze %dma_start3A_123 : memref<1x1x1x25x80xi32, #tpu.memory_space<hbm>> -> memref<25x80xi32, #tpu.memory_space<hbm>>
    %dma_start3A_125 = arith.constant 0 : i32
    %dma_start3A_126 = arith.constant 0 : i32
    %dma_start3A_127 = tpu.memref_slice %arg3[%dma_start3A_119, %add3A, %dma_start3A_120, %dma_start3A_125, %dma_start3A_126] : memref<2x32x5x25x80xi32, #tpu.memory_space<hbm>> -> memref<1x1x1x25x80xi32, #tpu.memory_space<hbm>>
    %dma_start3A_128 = tpu.memref_squeeze %dma_start3A_127 : memref<1x1x1x25x80xi32, #tpu.memory_space<hbm>> -> memref<25x80xi32, #tpu.memory_space<hbm>>
    tpu.enqueue_dma source(%dma_start3A_128 : memref<25x80xi32, #tpu.memory_space<hbm>>) target(%arg7 : memref<25x80xi32, #tpu.memory_space<vmem>>) target_semaphore(%arg14 : memref<!tpu.dma_semaphore, #tpu.memory_space<semaphore_mem>>)
    %dma_start3A_129 = arith.constant 0 : i32
    %dma_start3A_130 = arith.constant 0 : i32
    %dma_start3A_131 = tpu.memref_slice %arg6[%dma_start3A_129, %dma_start3A_130] : memref<25x80xi32, #tpu.memory_space<vmem>> -> memref<1x80xi32, #tpu.memory_space<vmem>>
    %dma_start3A_132 = tpu.memref_squeeze %dma_start3A_131 : memref<1x80xi32, #tpu.memory_space<vmem>> -> memref<80xi32, #tpu.memory_space<vmem>>
    %dma_start3A_133 = arith.constant 0 : i32
    %dma_start3A_134 = arith.constant 0 : i32
    %dma_start3A_135 = tpu.memref_slice %arg2[%dma_start3A_133, %dma_start3A_134] : memref<10000x128xf32, #tpu.memory_space<hbm>> -> memref<10000x128xf32, #tpu.memory_space<hbm>>
    tpu.enqueue_indirect_dma source(%dma_start3A_135 : memref<10000x128xf32, #tpu.memory_space<hbm>>) target(%arg9 : memref<80x128xf32, #tpu.memory_space<vmem>>) offsets(%dma_start3A_132 : memref<80xi32, #tpu.memory_space<vmem>>) semaphore(%arg12 : memref<!tpu.dma_semaphore, #tpu.memory_space<semaphore_mem>>)
    %scan3A_136 = arith.constant 0 : i32
    %scan3A_137 = arith.constant 12 : i32
    %scan3A_138 = arith.addi %scan3A_136, %scan3A_137 : i32
    %scan3A_139 = arith.constant 1 : i32
    scf.for %scan3A_310 = %scan3A_136 to %scan3A_138 step %scan3A_139  : i32 {
      %mul3A_311 = arith.constant 2 : i32
      %mul3A_312 = arith.muli %scan3A_310, %mul3A_311 : i32
      %add3A_313 = arith.constant 0 : i32
      %add3A_314 = arith.addi %add3A_313, %mul3A_312 : i32
      %add3A_315 = arith.constant 1 : i32
      %add3A_316 = arith.addi %add3A_314, %add3A_315 : i32
      %dma_start3A_317 = arith.constant 0 : i32
      %dma_start3A_318 = tpu.memref_slice %arg6[%add3A_316, %dma_start3A_317] : memref<25x80xi32, #tpu.memory_space<vmem>> -> memref<1x80xi32, #tpu.memory_space<vmem>>
      %dma_start3A_319 = tpu.memref_squeeze %dma_start3A_318 : memref<1x80xi32, #tpu.memory_space<vmem>> -> memref<80xi32, #tpu.memory_space<vmem>>
      %dma_start3A_320 = arith.constant 0 : i32
      %dma_start3A_321 = arith.constant 0 : i32
      %dma_start3A_322 = tpu.memref_slice %arg2[%dma_start3A_320, %dma_start3A_321] : memref<10000x128xf32, #tpu.memory_space<hbm>> -> memref<10000x128xf32, #tpu.memory_space<hbm>>
      tpu.enqueue_indirect_dma source(%dma_start3A_322 : memref<10000x128xf32, #tpu.memory_space<hbm>>) target(%arg10 : memref<80x128xf32, #tpu.memory_space<vmem>>) offsets(%dma_start3A_319 : memref<80xi32, #tpu.memory_space<vmem>>) semaphore(%arg13 : memref<!tpu.dma_semaphore, #tpu.memory_space<semaphore_mem>>)
      %dma_wait3A_323 = arith.constant 0 : i32
      %dma_wait3A_324 = tpu.memref_slice %arg6[%add3A_314, %dma_wait3A_323] : memref<25x80xi32, #tpu.memory_space<vmem>> -> memref<1x80xi32, #tpu.memory_space<vmem>>
      %dma_wait3A_325 = tpu.memref_squeeze %dma_wait3A_324 : memref<1x80xi32, #tpu.memory_space<vmem>> -> memref<80xi32, #tpu.memory_space<vmem>>
      %dma_wait3A_326 = arith.constant 0 : i32
      %dma_wait3A_327 = arith.constant 0 : i32
      %dma_wait3A_328 = tpu.memref_slice %arg2[%dma_wait3A_326, %dma_wait3A_327] : memref<10000x128xf32, #tpu.memory_space<hbm>> -> memref<10000x128xf32, #tpu.memory_space<hbm>>
      tpu.wait_indirect_dma semaphore(%arg12 : memref<!tpu.dma_semaphore, #tpu.memory_space<semaphore_mem>>) src(%dma_wait3A_328 : memref<10000x128xf32, #tpu.memory_space<hbm>>) dst(%arg9 : memref<80x128xf32, #tpu.memory_space<vmem>>)
      "tpu.region"() ({
        %run_scoped3A_347 = tpu.sem_alloc : memref<!tpu.dma_semaphore, #tpu.memory_space<semaphore_mem>>
        %dma_start3A_348 = arith.constant 0 : i32
        %dma_start3A_349 = tpu.memref_slice %arg8[%add3A_314, %dma_start3A_348] : memref<25x80xi32, #tpu.memory_space<vmem>> -> memref<1x80xi32, #tpu.memory_space<vmem>>
        %dma_start3A_350 = tpu.memref_squeeze %dma_start3A_349 : memref<1x80xi32, #tpu.memory_space<vmem>> -> memref<80xi32, #tpu.memory_space<vmem>>
        %dma_start3A_351 = arith.constant 0 : i32
        %dma_start3A_352 = arith.constant 0 : i32
        %dma_start3A_353 = tpu.memref_slice %arg11[%dma_start3A_351, %dma_start3A_352] : memref<10240x128xf32, #tpu.memory_space<vmem_shared>> -> memref<10240x128xf32, #tpu.memory_space<vmem_shared>>
        tpu.enqueue_indirect_dma source(%arg9 : memref<80x128xf32, #tpu.memory_space<vmem>>) target(%dma_start3A_353 : memref<10240x128xf32, #tpu.memory_space<vmem_shared>>) offsets(%dma_start3A_350 : memref<80xi32, #tpu.memory_space<vmem>>) semaphore(%run_scoped3A_347 : memref<!tpu.dma_semaphore, #tpu.memory_space<semaphore_mem>>) {add = true}
        %dma_wait3A_354 = arith.constant 0 : i32
        %dma_wait3A_355 = tpu.memref_slice %arg8[%add3A_314, %dma_wait3A_354] : memref<25x80xi32, #tpu.memory_space<vmem>> -> memref<1x80xi32, #tpu.memory_space<vmem>>
        %dma_wait3A_356 = tpu.memref_squeeze %dma_wait3A_355 : memref<1x80xi32, #tpu.memory_space<vmem>> -> memref<80xi32, #tpu.memory_space<vmem>>
        %dma_wait3A_357 = arith.constant 0 : i32
        %dma_wait3A_358 = arith.constant 0 : i32
        %dma_wait3A_359 = tpu.memref_slice %arg11[%dma_wait3A_357, %dma_wait3A_358] : memref<10240x128xf32, #tpu.memory_space<vmem_shared>> -> memref<10240x128xf32, #tpu.memory_space<vmem_shared>>
        tpu.wait_indirect_dma semaphore(%run_scoped3A_347 : memref<!tpu.dma_semaphore, #tpu.memory_space<semaphore_mem>>) src(%arg9 : memref<80x128xf32, #tpu.memory_space<vmem>>) dst(%dma_wait3A_359 : memref<10240x128xf32, #tpu.memory_space<vmem_shared>>)
        tpu.yield
      }) : () -> ()
      %add3A_329 = arith.constant 2 : i32
      %add3A_330 = arith.addi %add3A_314, %add3A_329 : i32
      %dma_start3A_331 = arith.constant 0 : i32
      %dma_start3A_332 = tpu.memref_slice %arg6[%add3A_330, %dma_start3A_331] : memref<25x80xi32, #tpu.memory_space<vmem>> -> memref<1x80xi32, #tpu.memory_space<vmem>>
      %dma_start3A_333 = tpu.memref_squeeze %dma_start3A_332 : memref<1x80xi32, #tpu.memory_space<vmem>> -> memref<80xi32, #tpu.memory_space<vmem>>
      %dma_start3A_334 = arith.constant 0 : i32
      %dma_start3A_335 = arith.constant 0 : i32
      %dma_start3A_336 = tpu.memref_slice %arg2[%dma_start3A_334, %dma_start3A_335] : memref<10000x128xf32, #tpu.memory_space<hbm>> -> memref<10000x128xf32, #tpu.memory_space<hbm>>
      tpu.enqueue_indirect_dma source(%dma_start3A_336 : memref<10000x128xf32, #tpu.memory_space<hbm>>) target(%arg9 : memref<80x128xf32, #tpu.memory_space<vmem>>) offsets(%dma_start3A_333 : memref<80xi32, #tpu.memory_space<vmem>>) semaphore(%arg12 : memref<!tpu.dma_semaphore, #tpu.memory_space<semaphore_mem>>)
      %add3A_337 = arith.constant 1 : i32
      %add3A_338 = arith.addi %add3A_314, %add3A_337 : i32
      %dma_wait3A_339 = arith.constant 0 : i32
      %dma_wait3A_340 = tpu.memref_slice %arg6[%add3A_338, %dma_wait3A_339] : memref<25x80xi32, #tpu.memory_space<vmem>> -> memref<1x80xi32, #tpu.memory_space<vmem>>
      %dma_wait3A_341 = tpu.memref_squeeze %dma_wait3A_340 : memref<1x80xi32, #tpu.memory_space<vmem>> -> memref<80xi32, #tpu.memory_space<vmem>>
      %dma_wait3A_342 = arith.constant 0 : i32
      %dma_wait3A_343 = arith.constant 0 : i32
      %dma_wait3A_344 = tpu.memref_slice %arg2[%dma_wait3A_342, %dma_wait3A_343] : memref<10000x128xf32, #tpu.memory_space<hbm>> -> memref<10000x128xf32, #tpu.memory_space<hbm>>
      tpu.wait_indirect_dma semaphore(%arg13 : memref<!tpu.dma_semaphore, #tpu.memory_space<semaphore_mem>>) src(%dma_wait3A_344 : memref<10000x128xf32, #tpu.memory_space<hbm>>) dst(%arg10 : memref<80x128xf32, #tpu.memory_space<vmem>>)
      %add3A_345 = arith.constant 1 : i32
      %add3A_346 = arith.addi %add3A_314, %add3A_345 : i32
      "tpu.region"() ({
        %run_scoped3A_347 = tpu.sem_alloc : memref<!tpu.dma_semaphore, #tpu.memory_space<semaphore_mem>>
        %dma_start3A_348 = arith.constant 0 : i32
        %dma_start3A_349 = tpu.memref_slice %arg8[%add3A_346, %dma_start3A_348] : memref<25x80xi32, #tpu.memory_space<vmem>> -> memref<1x80xi32, #tpu.memory_space<vmem>>
        %dma_start3A_350 = tpu.memref_squeeze %dma_start3A_349 : memref<1x80xi32, #tpu.memory_space<vmem>> -> memref<80xi32, #tpu.memory_space<vmem>>
        %dma_start3A_351 = arith.constant 0 : i32
        %dma_start3A_352 = arith.constant 0 : i32
        %dma_start3A_353 = tpu.memref_slice %arg11[%dma_start3A_351, %dma_start3A_352] : memref<10240x128xf32, #tpu.memory_space<vmem_shared>> -> memref<10240x128xf32, #tpu.memory_space<vmem_shared>>
        tpu.enqueue_indirect_dma source(%arg10 : memref<80x128xf32, #tpu.memory_space<vmem>>) target(%dma_start3A_353 : memref<10240x128xf32, #tpu.memory_space<vmem_shared>>) offsets(%dma_start3A_350 : memref<80xi32, #tpu.memory_space<vmem>>) semaphore(%run_scoped3A_347 : memref<!tpu.dma_semaphore, #tpu.memory_space<semaphore_mem>>) {add = true}
        %dma_wait3A_354 = arith.constant 0 : i32
        %dma_wait3A_355 = tpu.memref_slice %arg8[%add3A_346, %dma_wait3A_354] : memref<25x80xi32, #tpu.memory_space<vmem>> -> memref<1x80xi32, #tpu.memory_space<vmem>>
        %dma_wait3A_356 = tpu.memref_squeeze %dma_wait3A_355 : memref<1x80xi32, #tpu.memory_space<vmem>> -> memref<80xi32, #tpu.memory_space<vmem>>
        %dma_wait3A_357 = arith.constant 0 : i32
        %dma_wait3A_358 = arith.constant 0 : i32
        %dma_wait3A_359 = tpu.memref_slice %arg11[%dma_wait3A_357, %dma_wait3A_358] : memref<10240x128xf32, #tpu.memory_space<vmem_shared>> -> memref<10240x128xf32, #tpu.memory_space<vmem_shared>>
        tpu.wait_indirect_dma semaphore(%run_scoped3A_347 : memref<!tpu.dma_semaphore, #tpu.memory_space<semaphore_mem>>) src(%arg10 : memref<80x128xf32, #tpu.memory_space<vmem>>) dst(%dma_wait3A_359 : memref<10240x128xf32, #tpu.memory_space<vmem_shared>>)
        tpu.yield
      }) : () -> ()
    }
    %scan3A_140 = arith.constant 12 : i32
    %dma_wait3A_141 = arith.constant 24 : i32
    %dma_wait3A_142 = arith.constant 0 : i32
    %dma_wait3A_143 = tpu.memref_slice %arg6[%dma_wait3A_141, %dma_wait3A_142] : memref<25x80xi32, #tpu.memory_space<vmem>> -> memref<1x80xi32, #tpu.memory_space<vmem>>
    %dma_wait3A_144 = tpu.memref_squeeze %dma_wait3A_143 : memref<1x80xi32, #tpu.memory_space<vmem>> -> memref<80xi32, #tpu.memory_space<vmem>>
    %dma_wait3A_145 = arith.constant 0 : i32
    %dma_wait3A_146 = arith.constant 0 : i32
    %dma_wait3A_147 = tpu.memref_slice %arg2[%dma_wait3A_145, %dma_wait3A_146] : memref<10000x128xf32, #tpu.memory_space<hbm>> -> memref<10000x128xf32, #tpu.memory_space<hbm>>
    tpu.wait_indirect_dma semaphore(%arg12 : memref<!tpu.dma_semaphore, #tpu.memory_space<semaphore_mem>>) src(%dma_wait3A_147 : memref<10000x128xf32, #tpu.memory_space<hbm>>) dst(%arg9 : memref<80x128xf32, #tpu.memory_space<vmem>>)
    %run_scoped3A_148 = arith.constant 24 : i32
    "tpu.region"() ({
      %run_scoped3A_310 = tpu.sem_alloc : memref<!tpu.dma_semaphore, #tpu.memory_space<semaphore_mem>>
      %dma_start3A_311 = arith.constant 0 : i32
      %dma_start3A_312 = tpu.memref_slice %arg8[%run_scoped3A_148, %dma_start3A_311] : memref<25x80xi32, #tpu.memory_space<vmem>> -> memref<1x80xi32, #tpu.memory_space<vmem>>
      %dma_start3A_313 = tpu.memref_squeeze %dma_start3A_312 : memref<1x80xi32, #tpu.memory_space<vmem>> -> memref<80xi32, #tpu.memory_space<vmem>>
      %dma_start3A_314 = arith.constant 0 : i32
      %dma_start3A_315 = arith.constant 0 : i32
      %dma_start3A_316 = tpu.memref_slice %arg11[%dma_start3A_314, %dma_start3A_315] : memref<10240x128xf32, #tpu.memory_space<vmem_shared>> -> memref<10240x128xf32, #tpu.memory_space<vmem_shared>>
      tpu.enqueue_indirect_dma source(%arg9 : memref<80x128xf32, #tpu.memory_space<vmem>>) target(%dma_start3A_316 : memref<10240x128xf32, #tpu.memory_space<vmem_shared>>) offsets(%dma_start3A_313 : memref<80xi32, #tpu.memory_space<vmem>>) semaphore(%run_scoped3A_310 : memref<!tpu.dma_semaphore, #tpu.memory_space<semaphore_mem>>) {add = true}
      %dma_wait3A_317 = arith.constant 0 : i32
      %dma_wait3A_318 = tpu.memref_slice %arg8[%run_scoped3A_148, %dma_wait3A_317] : memref<25x80xi32, #tpu.memory_space<vmem>> -> memref<1x80xi32, #tpu.memory_space<vmem>>
      %dma_wait3A_319 = tpu.memref_squeeze %dma_wait3A_318 : memref<1x80xi32, #tpu.memory_space<vmem>> -> memref<80xi32, #tpu.memory_space<vmem>>
      %dma_wait3A_320 = arith.constant 0 : i32
      %dma_wait3A_321 = arith.constant 0 : i32
      %dma_wait3A_322 = tpu.memref_slice %arg11[%dma_wait3A_320, %dma_wait3A_321] : memref<10240x128xf32, #tpu.memory_space<vmem_shared>> -> memref<10240x128xf32, #tpu.memory_space<vmem_shared>>
      tpu.wait_indirect_dma semaphore(%run_scoped3A_310 : memref<!tpu.dma_semaphore, #tpu.memory_space<semaphore_mem>>) src(%arg9 : memref<80x128xf32, #tpu.memory_space<vmem>>) dst(%dma_wait3A_322 : memref<10240x128xf32, #tpu.memory_space<vmem_shared>>)
      tpu.yield
    }) : () -> ()
    %dma_wait3A_149 = arith.constant 0 : i32
    %dma_wait3A_150 = arith.constant 2 : i32
    %dma_wait3A_151 = arith.constant 0 : i32
    %dma_wait3A_152 = arith.constant 0 : i32
    %dma_wait3A_153 = tpu.memref_slice %arg3[%dma_wait3A_149, %add3A, %dma_wait3A_150, %dma_wait3A_151, %dma_wait3A_152] : memref<2x32x5x25x80xi32, #tpu.memory_space<hbm>> -> memref<1x1x1x25x80xi32, #tpu.memory_space<hbm>>
    %dma_wait3A_154 = tpu.memref_squeeze %dma_wait3A_153 : memref<1x1x1x25x80xi32, #tpu.memory_space<hbm>> -> memref<25x80xi32, #tpu.memory_space<hbm>>
    %dma_wait3A_155 = arith.constant 0 : i32
    %dma_wait3A_156 = arith.constant 0 : i32
    %dma_wait3A_157 = tpu.memref_slice %arg3[%dma_wait3A_149, %add3A, %dma_wait3A_150, %dma_wait3A_155, %dma_wait3A_156] : memref<2x32x5x25x80xi32, #tpu.memory_space<hbm>> -> memref<1x1x1x25x80xi32, #tpu.memory_space<hbm>>
    %dma_wait3A_158 = tpu.memref_squeeze %dma_wait3A_157 : memref<1x1x1x25x80xi32, #tpu.memory_space<hbm>> -> memref<25x80xi32, #tpu.memory_space<hbm>>
    tpu.wait_dma2 semaphore(%arg14 : memref<!tpu.dma_semaphore, #tpu.memory_space<semaphore_mem>>) src(%dma_wait3A_158 : memref<25x80xi32, #tpu.memory_space<hbm>>) dst(%arg5 : memref<25x80xi32, #tpu.memory_space<vmem>>)
    %dma_wait3A_159 = arith.constant 1 : i32
    %dma_wait3A_160 = arith.constant 2 : i32
    %dma_wait3A_161 = arith.constant 0 : i32
    %dma_wait3A_162 = arith.constant 0 : i32
    %dma_wait3A_163 = tpu.memref_slice %arg3[%dma_wait3A_159, %add3A, %dma_wait3A_160, %dma_wait3A_161, %dma_wait3A_162] : memref<2x32x5x25x80xi32, #tpu.memory_space<hbm>> -> memref<1x1x1x25x80xi32, #tpu.memory_space<hbm>>
    %dma_wait3A_164 = tpu.memref_squeeze %dma_wait3A_163 : memref<1x1x1x25x80xi32, #tpu.memory_space<hbm>> -> memref<25x80xi32, #tpu.memory_space<hbm>>
    %dma_wait3A_165 = arith.constant 0 : i32
    %dma_wait3A_166 = arith.constant 0 : i32
    %dma_wait3A_167 = tpu.memref_slice %arg3[%dma_wait3A_159, %add3A, %dma_wait3A_160, %dma_wait3A_165, %dma_wait3A_166] : memref<2x32x5x25x80xi32, #tpu.memory_space<hbm>> -> memref<1x1x1x25x80xi32, #tpu.memory_space<hbm>>
    %dma_wait3A_168 = tpu.memref_squeeze %dma_wait3A_167 : memref<1x1x1x25x80xi32, #tpu.memory_space<hbm>> -> memref<25x80xi32, #tpu.memory_space<hbm>>
    tpu.wait_dma2 semaphore(%arg14 : memref<!tpu.dma_semaphore, #tpu.memory_space<semaphore_mem>>) src(%dma_wait3A_168 : memref<25x80xi32, #tpu.memory_space<hbm>>) dst(%arg7 : memref<25x80xi32, #tpu.memory_space<vmem>>)
    %dma_start3A_169 = arith.constant 0 : i32
    %dma_start3A_170 = arith.constant 3 : i32
    %dma_start3A_171 = arith.constant 0 : i32
    %dma_start3A_172 = arith.constant 0 : i32
    %dma_start3A_173 = tpu.memref_slice %arg3[%dma_start3A_169, %add3A, %dma_start3A_170, %dma_start3A_171, %dma_start3A_172] : memref<2x32x5x25x80xi32, #tpu.memory_space<hbm>> -> memref<1x1x1x25x80xi32, #tpu.memory_space<hbm>>
    %dma_start3A_174 = tpu.memref_squeeze %dma_start3A_173 : memref<1x1x1x25x80xi32, #tpu.memory_space<hbm>> -> memref<25x80xi32, #tpu.memory_space<hbm>>
    %dma_start3A_175 = arith.constant 0 : i32
    %dma_start3A_176 = arith.constant 0 : i32
    %dma_start3A_177 = tpu.memref_slice %arg3[%dma_start3A_169, %add3A, %dma_start3A_170, %dma_start3A_175, %dma_start3A_176] : memref<2x32x5x25x80xi32, #tpu.memory_space<hbm>> -> memref<1x1x1x25x80xi32, #tpu.memory_space<hbm>>
    %dma_start3A_178 = tpu.memref_squeeze %dma_start3A_177 : memref<1x1x1x25x80xi32, #tpu.memory_space<hbm>> -> memref<25x80xi32, #tpu.memory_space<hbm>>
    tpu.enqueue_dma source(%dma_start3A_178 : memref<25x80xi32, #tpu.memory_space<hbm>>) target(%arg6 : memref<25x80xi32, #tpu.memory_space<vmem>>) target_semaphore(%arg15 : memref<!tpu.dma_semaphore, #tpu.memory_space<semaphore_mem>>)
    %dma_start3A_179 = arith.constant 1 : i32
    %dma_start3A_180 = arith.constant 3 : i32
    %dma_start3A_181 = arith.constant 0 : i32
    %dma_start3A_182 = arith.constant 0 : i32
    %dma_start3A_183 = tpu.memref_slice %arg3[%dma_start3A_179, %add3A, %dma_start3A_180, %dma_start3A_181, %dma_start3A_182] : memref<2x32x5x25x80xi32, #tpu.memory_space<hbm>> -> memref<1x1x1x25x80xi32, #tpu.memory_space<hbm>>
    %dma_start3A_184 = tpu.memref_squeeze %dma_start3A_183 : memref<1x1x1x25x80xi32, #tpu.memory_space<hbm>> -> memref<25x80xi32, #tpu.memory_space<hbm>>
    %dma_start3A_185 = arith.constant 0 : i32
    %dma_start3A_186 = arith.constant 0 : i32
    %dma_start3A_187 = tpu.memref_slice %arg3[%dma_start3A_179, %add3A, %dma_start3A_180, %dma_start3A_185, %dma_start3A_186] : memref<2x32x5x25x80xi32, #tpu.memory_space<hbm>> -> memref<1x1x1x25x80xi32, #tpu.memory_space<hbm>>
    %dma_start3A_188 = tpu.memref_squeeze %dma_start3A_187 : memref<1x1x1x25x80xi32, #tpu.memory_space<hbm>> -> memref<25x80xi32, #tpu.memory_space<hbm>>
    tpu.enqueue_dma source(%dma_start3A_188 : memref<25x80xi32, #tpu.memory_space<hbm>>) target(%arg8 : memref<25x80xi32, #tpu.memory_space<vmem>>) target_semaphore(%arg15 : memref<!tpu.dma_semaphore, #tpu.memory_space<semaphore_mem>>)
    %dma_start3A_189 = arith.constant 0 : i32
    %dma_start3A_190 = arith.constant 0 : i32
    %dma_start3A_191 = tpu.memref_slice %arg5[%dma_start3A_189, %dma_start3A_190] : memref<25x80xi32, #tpu.memory_space<vmem>> -> memref<1x80xi32, #tpu.memory_space<vmem>>
    %dma_start3A_192 = tpu.memref_squeeze %dma_start3A_191 : memref<1x80xi32, #tpu.memory_space<vmem>> -> memref<80xi32, #tpu.memory_space<vmem>>
    %dma_start3A_193 = arith.constant 0 : i32
    %dma_start3A_194 = arith.constant 0 : i32
    %dma_start3A_195 = tpu.memref_slice %arg2[%dma_start3A_193, %dma_start3A_194] : memref<10000x128xf32, #tpu.memory_space<hbm>> -> memref<10000x128xf32, #tpu.memory_space<hbm>>
    tpu.enqueue_indirect_dma source(%dma_start3A_195 : memref<10000x128xf32, #tpu.memory_space<hbm>>) target(%arg9 : memref<80x128xf32, #tpu.memory_space<vmem>>) offsets(%dma_start3A_192 : memref<80xi32, #tpu.memory_space<vmem>>) semaphore(%arg12 : memref<!tpu.dma_semaphore, #tpu.memory_space<semaphore_mem>>)
    %scan3A_196 = arith.constant 0 : i32
    %scan3A_197 = arith.constant 12 : i32
    %scan3A_198 = arith.addi %scan3A_196, %scan3A_197 : i32
    %scan3A_199 = arith.constant 1 : i32
    scf.for %scan3A_310 = %scan3A_196 to %scan3A_198 step %scan3A_199  : i32 {
      %mul3A_311 = arith.constant 2 : i32
      %mul3A_312 = arith.muli %scan3A_310, %mul3A_311 : i32
      %add3A_313 = arith.constant 0 : i32
      %add3A_314 = arith.addi %add3A_313, %mul3A_312 : i32
      %add3A_315 = arith.constant 1 : i32
      %add3A_316 = arith.addi %add3A_314, %add3A_315 : i32
      %dma_start3A_317 = arith.constant 0 : i32
      %dma_start3A_318 = tpu.memref_slice %arg5[%add3A_316, %dma_start3A_317] : memref<25x80xi32, #tpu.memory_space<vmem>> -> memref<1x80xi32, #tpu.memory_space<vmem>>
      %dma_start3A_319 = tpu.memref_squeeze %dma_start3A_318 : memref<1x80xi32, #tpu.memory_space<vmem>> -> memref<80xi32, #tpu.memory_space<vmem>>
      %dma_start3A_320 = arith.constant 0 : i32
      %dma_start3A_321 = arith.constant 0 : i32
      %dma_start3A_322 = tpu.memref_slice %arg2[%dma_start3A_320, %dma_start3A_321] : memref<10000x128xf32, #tpu.memory_space<hbm>> -> memref<10000x128xf32, #tpu.memory_space<hbm>>
      tpu.enqueue_indirect_dma source(%dma_start3A_322 : memref<10000x128xf32, #tpu.memory_space<hbm>>) target(%arg10 : memref<80x128xf32, #tpu.memory_space<vmem>>) offsets(%dma_start3A_319 : memref<80xi32, #tpu.memory_space<vmem>>) semaphore(%arg13 : memref<!tpu.dma_semaphore, #tpu.memory_space<semaphore_mem>>)
      %dma_wait3A_323 = arith.constant 0 : i32
      %dma_wait3A_324 = tpu.memref_slice %arg5[%add3A_314, %dma_wait3A_323] : memref<25x80xi32, #tpu.memory_space<vmem>> -> memref<1x80xi32, #tpu.memory_space<vmem>>
      %dma_wait3A_325 = tpu.memref_squeeze %dma_wait3A_324 : memref<1x80xi32, #tpu.memory_space<vmem>> -> memref<80xi32, #tpu.memory_space<vmem>>
      %dma_wait3A_326 = arith.constant 0 : i32
      %dma_wait3A_327 = arith.constant 0 : i32
      %dma_wait3A_328 = tpu.memref_slice %arg2[%dma_wait3A_326, %dma_wait3A_327] : memref<10000x128xf32, #tpu.memory_space<hbm>> -> memref<10000x128xf32, #tpu.memory_space<hbm>>
      tpu.wait_indirect_dma semaphore(%arg12 : memref<!tpu.dma_semaphore, #tpu.memory_space<semaphore_mem>>) src(%dma_wait3A_328 : memref<10000x128xf32, #tpu.memory_space<hbm>>) dst(%arg9 : memref<80x128xf32, #tpu.memory_space<vmem>>)
      "tpu.region"() ({
        %run_scoped3A_347 = tpu.sem_alloc : memref<!tpu.dma_semaphore, #tpu.memory_space<semaphore_mem>>
        %dma_start3A_348 = arith.constant 0 : i32
        %dma_start3A_349 = tpu.memref_slice %arg7[%add3A_314, %dma_start3A_348] : memref<25x80xi32, #tpu.memory_space<vmem>> -> memref<1x80xi32, #tpu.memory_space<vmem>>
        %dma_start3A_350 = tpu.memref_squeeze %dma_start3A_349 : memref<1x80xi32, #tpu.memory_space<vmem>> -> memref<80xi32, #tpu.memory_space<vmem>>
        %dma_start3A_351 = arith.constant 0 : i32
        %dma_start3A_352 = arith.constant 0 : i32
        %dma_start3A_353 = tpu.memref_slice %arg11[%dma_start3A_351, %dma_start3A_352] : memref<10240x128xf32, #tpu.memory_space<vmem_shared>> -> memref<10240x128xf32, #tpu.memory_space<vmem_shared>>
        tpu.enqueue_indirect_dma source(%arg9 : memref<80x128xf32, #tpu.memory_space<vmem>>) target(%dma_start3A_353 : memref<10240x128xf32, #tpu.memory_space<vmem_shared>>) offsets(%dma_start3A_350 : memref<80xi32, #tpu.memory_space<vmem>>) semaphore(%run_scoped3A_347 : memref<!tpu.dma_semaphore, #tpu.memory_space<semaphore_mem>>) {add = true}
        %dma_wait3A_354 = arith.constant 0 : i32
        %dma_wait3A_355 = tpu.memref_slice %arg7[%add3A_314, %dma_wait3A_354] : memref<25x80xi32, #tpu.memory_space<vmem>> -> memref<1x80xi32, #tpu.memory_space<vmem>>
        %dma_wait3A_356 = tpu.memref_squeeze %dma_wait3A_355 : memref<1x80xi32, #tpu.memory_space<vmem>> -> memref<80xi32, #tpu.memory_space<vmem>>
        %dma_wait3A_357 = arith.constant 0 : i32
        %dma_wait3A_358 = arith.constant 0 : i32
        %dma_wait3A_359 = tpu.memref_slice %arg11[%dma_wait3A_357, %dma_wait3A_358] : memref<10240x128xf32, #tpu.memory_space<vmem_shared>> -> memref<10240x128xf32, #tpu.memory_space<vmem_shared>>
        tpu.wait_indirect_dma semaphore(%run_scoped3A_347 : memref<!tpu.dma_semaphore, #tpu.memory_space<semaphore_mem>>) src(%arg9 : memref<80x128xf32, #tpu.memory_space<vmem>>) dst(%dma_wait3A_359 : memref<10240x128xf32, #tpu.memory_space<vmem_shared>>)
        tpu.yield
      }) : () -> ()
      %add3A_329 = arith.constant 2 : i32
      %add3A_330 = arith.addi %add3A_314, %add3A_329 : i32
      %dma_start3A_331 = arith.constant 0 : i32
      %dma_start3A_332 = tpu.memref_slice %arg5[%add3A_330, %dma_start3A_331] : memref<25x80xi32, #tpu.memory_space<vmem>> -> memref<1x80xi32, #tpu.memory_space<vmem>>
      %dma_start3A_333 = tpu.memref_squeeze %dma_start3A_332 : memref<1x80xi32, #tpu.memory_space<vmem>> -> memref<80xi32, #tpu.memory_space<vmem>>
      %dma_start3A_334 = arith.constant 0 : i32
      %dma_start3A_335 = arith.constant 0 : i32
      %dma_start3A_336 = tpu.memref_slice %arg2[%dma_start3A_334, %dma_start3A_335] : memref<10000x128xf32, #tpu.memory_space<hbm>> -> memref<10000x128xf32, #tpu.memory_space<hbm>>
      tpu.enqueue_indirect_dma source(%dma_start3A_336 : memref<10000x128xf32, #tpu.memory_space<hbm>>) target(%arg9 : memref<80x128xf32, #tpu.memory_space<vmem>>) offsets(%dma_start3A_333 : memref<80xi32, #tpu.memory_space<vmem>>) semaphore(%arg12 : memref<!tpu.dma_semaphore, #tpu.memory_space<semaphore_mem>>)
      %add3A_337 = arith.constant 1 : i32
      %add3A_338 = arith.addi %add3A_314, %add3A_337 : i32
      %dma_wait3A_339 = arith.constant 0 : i32
      %dma_wait3A_340 = tpu.memref_slice %arg5[%add3A_338, %dma_wait3A_339] : memref<25x80xi32, #tpu.memory_space<vmem>> -> memref<1x80xi32, #tpu.memory_space<vmem>>
      %dma_wait3A_341 = tpu.memref_squeeze %dma_wait3A_340 : memref<1x80xi32, #tpu.memory_space<vmem>> -> memref<80xi32, #tpu.memory_space<vmem>>
      %dma_wait3A_342 = arith.constant 0 : i32
      %dma_wait3A_343 = arith.constant 0 : i32
      %dma_wait3A_344 = tpu.memref_slice %arg2[%dma_wait3A_342, %dma_wait3A_343] : memref<10000x128xf32, #tpu.memory_space<hbm>> -> memref<10000x128xf32, #tpu.memory_space<hbm>>
      tpu.wait_indirect_dma semaphore(%arg13 : memref<!tpu.dma_semaphore, #tpu.memory_space<semaphore_mem>>) src(%dma_wait3A_344 : memref<10000x128xf32, #tpu.memory_space<hbm>>) dst(%arg10 : memref<80x128xf32, #tpu.memory_space<vmem>>)
      %add3A_345 = arith.constant 1 : i32
      %add3A_346 = arith.addi %add3A_314, %add3A_345 : i32
      "tpu.region"() ({
        %run_scoped3A_347 = tpu.sem_alloc : memref<!tpu.dma_semaphore, #tpu.memory_space<semaphore_mem>>
        %dma_start3A_348 = arith.constant 0 : i32
        %dma_start3A_349 = tpu.memref_slice %arg7[%add3A_346, %dma_start3A_348] : memref<25x80xi32, #tpu.memory_space<vmem>> -> memref<1x80xi32, #tpu.memory_space<vmem>>
        %dma_start3A_350 = tpu.memref_squeeze %dma_start3A_349 : memref<1x80xi32, #tpu.memory_space<vmem>> -> memref<80xi32, #tpu.memory_space<vmem>>
        %dma_start3A_351 = arith.constant 0 : i32
        %dma_start3A_352 = arith.constant 0 : i32
        %dma_start3A_353 = tpu.memref_slice %arg11[%dma_start3A_351, %dma_start3A_352] : memref<10240x128xf32, #tpu.memory_space<vmem_shared>> -> memref<10240x128xf32, #tpu.memory_space<vmem_shared>>
        tpu.enqueue_indirect_dma source(%arg10 : memref<80x128xf32, #tpu.memory_space<vmem>>) target(%dma_start3A_353 : memref<10240x128xf32, #tpu.memory_space<vmem_shared>>) offsets(%dma_start3A_350 : memref<80xi32, #tpu.memory_space<vmem>>) semaphore(%run_scoped3A_347 : memref<!tpu.dma_semaphore, #tpu.memory_space<semaphore_mem>>) {add = true}
        %dma_wait3A_354 = arith.constant 0 : i32
        %dma_wait3A_355 = tpu.memref_slice %arg7[%add3A_346, %dma_wait3A_354] : memref<25x80xi32, #tpu.memory_space<vmem>> -> memref<1x80xi32, #tpu.memory_space<vmem>>
        %dma_wait3A_356 = tpu.memref_squeeze %dma_wait3A_355 : memref<1x80xi32, #tpu.memory_space<vmem>> -> memref<80xi32, #tpu.memory_space<vmem>>
        %dma_wait3A_357 = arith.constant 0 : i32
        %dma_wait3A_358 = arith.constant 0 : i32
        %dma_wait3A_359 = tpu.memref_slice %arg11[%dma_wait3A_357, %dma_wait3A_358] : memref<10240x128xf32, #tpu.memory_space<vmem_shared>> -> memref<10240x128xf32, #tpu.memory_space<vmem_shared>>
        tpu.wait_indirect_dma semaphore(%run_scoped3A_347 : memref<!tpu.dma_semaphore, #tpu.memory_space<semaphore_mem>>) src(%arg10 : memref<80x128xf32, #tpu.memory_space<vmem>>) dst(%dma_wait3A_359 : memref<10240x128xf32, #tpu.memory_space<vmem_shared>>)
        tpu.yield
      }) : () -> ()
    }
    %scan3A_200 = arith.constant 12 : i32
    %dma_wait3A_201 = arith.constant 24 : i32
    %dma_wait3A_202 = arith.constant 0 : i32
    %dma_wait3A_203 = tpu.memref_slice %arg5[%dma_wait3A_201, %dma_wait3A_202] : memref<25x80xi32, #tpu.memory_space<vmem>> -> memref<1x80xi32, #tpu.memory_space<vmem>>
    %dma_wait3A_204 = tpu.memref_squeeze %dma_wait3A_203 : memref<1x80xi32, #tpu.memory_space<vmem>> -> memref<80xi32, #tpu.memory_space<vmem>>
    %dma_wait3A_205 = arith.constant 0 : i32
    %dma_wait3A_206 = arith.constant 0 : i32
    %dma_wait3A_207 = tpu.memref_slice %arg2[%dma_wait3A_205, %dma_wait3A_206] : memref<10000x128xf32, #tpu.memory_space<hbm>> -> memref<10000x128xf32, #tpu.memory_space<hbm>>
    tpu.wait_indirect_dma semaphore(%arg12 : memref<!tpu.dma_semaphore, #tpu.memory_space<semaphore_mem>>) src(%dma_wait3A_207 : memref<10000x128xf32, #tpu.memory_space<hbm>>) dst(%arg9 : memref<80x128xf32, #tpu.memory_space<vmem>>)
    %run_scoped3A_208 = arith.constant 24 : i32
    "tpu.region"() ({
      %run_scoped3A_310 = tpu.sem_alloc : memref<!tpu.dma_semaphore, #tpu.memory_space<semaphore_mem>>
      %dma_start3A_311 = arith.constant 0 : i32
      %dma_start3A_312 = tpu.memref_slice %arg7[%run_scoped3A_208, %dma_start3A_311] : memref<25x80xi32, #tpu.memory_space<vmem>> -> memref<1x80xi32, #tpu.memory_space<vmem>>
      %dma_start3A_313 = tpu.memref_squeeze %dma_start3A_312 : memref<1x80xi32, #tpu.memory_space<vmem>> -> memref<80xi32, #tpu.memory_space<vmem>>
      %dma_start3A_314 = arith.constant 0 : i32
      %dma_start3A_315 = arith.constant 0 : i32
      %dma_start3A_316 = tpu.memref_slice %arg11[%dma_start3A_314, %dma_start3A_315] : memref<10240x128xf32, #tpu.memory_space<vmem_shared>> -> memref<10240x128xf32, #tpu.memory_space<vmem_shared>>
      tpu.enqueue_indirect_dma source(%arg9 : memref<80x128xf32, #tpu.memory_space<vmem>>) target(%dma_start3A_316 : memref<10240x128xf32, #tpu.memory_space<vmem_shared>>) offsets(%dma_start3A_313 : memref<80xi32, #tpu.memory_space<vmem>>) semaphore(%run_scoped3A_310 : memref<!tpu.dma_semaphore, #tpu.memory_space<semaphore_mem>>) {add = true}
      %dma_wait3A_317 = arith.constant 0 : i32
      %dma_wait3A_318 = tpu.memref_slice %arg7[%run_scoped3A_208, %dma_wait3A_317] : memref<25x80xi32, #tpu.memory_space<vmem>> -> memref<1x80xi32, #tpu.memory_space<vmem>>
      %dma_wait3A_319 = tpu.memref_squeeze %dma_wait3A_318 : memref<1x80xi32, #tpu.memory_space<vmem>> -> memref<80xi32, #tpu.memory_space<vmem>>
      %dma_wait3A_320 = arith.constant 0 : i32
      %dma_wait3A_321 = arith.constant 0 : i32
      %dma_wait3A_322 = tpu.memref_slice %arg11[%dma_wait3A_320, %dma_wait3A_321] : memref<10240x128xf32, #tpu.memory_space<vmem_shared>> -> memref<10240x128xf32, #tpu.memory_space<vmem_shared>>
      tpu.wait_indirect_dma semaphore(%run_scoped3A_310 : memref<!tpu.dma_semaphore, #tpu.memory_space<semaphore_mem>>) src(%arg9 : memref<80x128xf32, #tpu.memory_space<vmem>>) dst(%dma_wait3A_322 : memref<10240x128xf32, #tpu.memory_space<vmem_shared>>)
      tpu.yield
    }) : () -> ()
    %dma_wait3A_209 = arith.constant 0 : i32
    %dma_wait3A_210 = arith.constant 3 : i32
    %dma_wait3A_211 = arith.constant 0 : i32
    %dma_wait3A_212 = arith.constant 0 : i32
    %dma_wait3A_213 = tpu.memref_slice %arg3[%dma_wait3A_209, %add3A, %dma_wait3A_210, %dma_wait3A_211, %dma_wait3A_212] : memref<2x32x5x25x80xi32, #tpu.memory_space<hbm>> -> memref<1x1x1x25x80xi32, #tpu.memory_space<hbm>>
    %dma_wait3A_214 = tpu.memref_squeeze %dma_wait3A_213 : memref<1x1x1x25x80xi32, #tpu.memory_space<hbm>> -> memref<25x80xi32, #tpu.memory_space<hbm>>
    %dma_wait3A_215 = arith.constant 0 : i32
    %dma_wait3A_216 = arith.constant 0 : i32
    %dma_wait3A_217 = tpu.memref_slice %arg3[%dma_wait3A_209, %add3A, %dma_wait3A_210, %dma_wait3A_215, %dma_wait3A_216] : memref<2x32x5x25x80xi32, #tpu.memory_space<hbm>> -> memref<1x1x1x25x80xi32, #tpu.memory_space<hbm>>
    %dma_wait3A_218 = tpu.memref_squeeze %dma_wait3A_217 : memref<1x1x1x25x80xi32, #tpu.memory_space<hbm>> -> memref<25x80xi32, #tpu.memory_space<hbm>>
    tpu.wait_dma2 semaphore(%arg15 : memref<!tpu.dma_semaphore, #tpu.memory_space<semaphore_mem>>) src(%dma_wait3A_218 : memref<25x80xi32, #tpu.memory_space<hbm>>) dst(%arg6 : memref<25x80xi32, #tpu.memory_space<vmem>>)
    %dma_wait3A_219 = arith.constant 1 : i32
    %dma_wait3A_220 = arith.constant 3 : i32
    %dma_wait3A_221 = arith.constant 0 : i32
    %dma_wait3A_222 = arith.constant 0 : i32
    %dma_wait3A_223 = tpu.memref_slice %arg3[%dma_wait3A_219, %add3A, %dma_wait3A_220, %dma_wait3A_221, %dma_wait3A_222] : memref<2x32x5x25x80xi32, #tpu.memory_space<hbm>> -> memref<1x1x1x25x80xi32, #tpu.memory_space<hbm>>
    %dma_wait3A_224 = tpu.memref_squeeze %dma_wait3A_223 : memref<1x1x1x25x80xi32, #tpu.memory_space<hbm>> -> memref<25x80xi32, #tpu.memory_space<hbm>>
    %dma_wait3A_225 = arith.constant 0 : i32
    %dma_wait3A_226 = arith.constant 0 : i32
    %dma_wait3A_227 = tpu.memref_slice %arg3[%dma_wait3A_219, %add3A, %dma_wait3A_220, %dma_wait3A_225, %dma_wait3A_226] : memref<2x32x5x25x80xi32, #tpu.memory_space<hbm>> -> memref<1x1x1x25x80xi32, #tpu.memory_space<hbm>>
    %dma_wait3A_228 = tpu.memref_squeeze %dma_wait3A_227 : memref<1x1x1x25x80xi32, #tpu.memory_space<hbm>> -> memref<25x80xi32, #tpu.memory_space<hbm>>
    tpu.wait_dma2 semaphore(%arg15 : memref<!tpu.dma_semaphore, #tpu.memory_space<semaphore_mem>>) src(%dma_wait3A_228 : memref<25x80xi32, #tpu.memory_space<hbm>>) dst(%arg8 : memref<25x80xi32, #tpu.memory_space<vmem>>)
    %dma_start3A_229 = arith.constant 0 : i32
    %dma_start3A_230 = arith.constant 4 : i32
    %dma_start3A_231 = arith.constant 0 : i32
    %dma_start3A_232 = arith.constant 0 : i32
    %dma_start3A_233 = tpu.memref_slice %arg3[%dma_start3A_229, %add3A, %dma_start3A_230, %dma_start3A_231, %dma_start3A_232] : memref<2x32x5x25x80xi32, #tpu.memory_space<hbm>> -> memref<1x1x1x25x80xi32, #tpu.memory_space<hbm>>
    %dma_start3A_234 = tpu.memref_squeeze %dma_start3A_233 : memref<1x1x1x25x80xi32, #tpu.memory_space<hbm>> -> memref<25x80xi32, #tpu.memory_space<hbm>>
    %dma_start3A_235 = arith.constant 0 : i32
    %dma_start3A_236 = arith.constant 0 : i32
    %dma_start3A_237 = tpu.memref_slice %arg3[%dma_start3A_229, %add3A, %dma_start3A_230, %dma_start3A_235, %dma_start3A_236] : memref<2x32x5x25x80xi32, #tpu.memory_space<hbm>> -> memref<1x1x1x25x80xi32, #tpu.memory_space<hbm>>
    %dma_start3A_238 = tpu.memref_squeeze %dma_start3A_237 : memref<1x1x1x25x80xi32, #tpu.memory_space<hbm>> -> memref<25x80xi32, #tpu.memory_space<hbm>>
    tpu.enqueue_dma source(%dma_start3A_238 : memref<25x80xi32, #tpu.memory_space<hbm>>) target(%arg5 : memref<25x80xi32, #tpu.memory_space<vmem>>) target_semaphore(%arg14 : memref<!tpu.dma_semaphore, #tpu.memory_space<semaphore_mem>>)
    %dma_start3A_239 = arith.constant 1 : i32
    %dma_start3A_240 = arith.constant 4 : i32
    %dma_start3A_241 = arith.constant 0 : i32
    %dma_start3A_242 = arith.constant 0 : i32
    %dma_start3A_243 = tpu.memref_slice %arg3[%dma_start3A_239, %add3A, %dma_start3A_240, %dma_start3A_241, %dma_start3A_242] : memref<2x32x5x25x80xi32, #tpu.memory_space<hbm>> -> memref<1x1x1x25x80xi32, #tpu.memory_space<hbm>>
    %dma_start3A_244 = tpu.memref_squeeze %dma_start3A_243 : memref<1x1x1x25x80xi32, #tpu.memory_space<hbm>> -> memref<25x80xi32, #tpu.memory_space<hbm>>
    %dma_start3A_245 = arith.constant 0 : i32
    %dma_start3A_246 = arith.constant 0 : i32
    %dma_start3A_247 = tpu.memref_slice %arg3[%dma_start3A_239, %add3A, %dma_start3A_240, %dma_start3A_245, %dma_start3A_246] : memref<2x32x5x25x80xi32, #tpu.memory_space<hbm>> -> memref<1x1x1x25x80xi32, #tpu.memory_space<hbm>>
    %dma_start3A_248 = tpu.memref_squeeze %dma_start3A_247 : memref<1x1x1x25x80xi32, #tpu.memory_space<hbm>> -> memref<25x80xi32, #tpu.memory_space<hbm>>
    tpu.enqueue_dma source(%dma_start3A_248 : memref<25x80xi32, #tpu.memory_space<hbm>>) target(%arg7 : memref<25x80xi32, #tpu.memory_space<vmem>>) target_semaphore(%arg14 : memref<!tpu.dma_semaphore, #tpu.memory_space<semaphore_mem>>)
    %dma_start3A_249 = arith.constant 0 : i32
    %dma_start3A_250 = arith.constant 0 : i32
    %dma_start3A_251 = tpu.memref_slice %arg6[%dma_start3A_249, %dma_start3A_250] : memref<25x80xi32, #tpu.memory_space<vmem>> -> memref<1x80xi32, #tpu.memory_space<vmem>>
    %dma_start3A_252 = tpu.memref_squeeze %dma_start3A_251 : memref<1x80xi32, #tpu.memory_space<vmem>> -> memref<80xi32, #tpu.memory_space<vmem>>
    %dma_start3A_253 = arith.constant 0 : i32
    %dma_start3A_254 = arith.constant 0 : i32
    %dma_start3A_255 = tpu.memref_slice %arg2[%dma_start3A_253, %dma_start3A_254] : memref<10000x128xf32, #tpu.memory_space<hbm>> -> memref<10000x128xf32, #tpu.memory_space<hbm>>
    tpu.enqueue_indirect_dma source(%dma_start3A_255 : memref<10000x128xf32, #tpu.memory_space<hbm>>) target(%arg9 : memref<80x128xf32, #tpu.memory_space<vmem>>) offsets(%dma_start3A_252 : memref<80xi32, #tpu.memory_space<vmem>>) semaphore(%arg12 : memref<!tpu.dma_semaphore, #tpu.memory_space<semaphore_mem>>)
    %scan3A_256 = arith.constant 0 : i32
    %scan3A_257 = arith.constant 12 : i32
    %scan3A_258 = arith.addi %scan3A_256, %scan3A_257 : i32
    %scan3A_259 = arith.constant 1 : i32
    scf.for %scan3A_310 = %scan3A_256 to %scan3A_258 step %scan3A_259  : i32 {
      %mul3A_311 = arith.constant 2 : i32
      %mul3A_312 = arith.muli %scan3A_310, %mul3A_311 : i32
      %add3A_313 = arith.constant 0 : i32
      %add3A_314 = arith.addi %add3A_313, %mul3A_312 : i32
      %add3A_315 = arith.constant 1 : i32
      %add3A_316 = arith.addi %add3A_314, %add3A_315 : i32
      %dma_start3A_317 = arith.constant 0 : i32
      %dma_start3A_318 = tpu.memref_slice %arg6[%add3A_316, %dma_start3A_317] : memref<25x80xi32, #tpu.memory_space<vmem>> -> memref<1x80xi32, #tpu.memory_space<vmem>>
      %dma_start3A_319 = tpu.memref_squeeze %dma_start3A_318 : memref<1x80xi32, #tpu.memory_space<vmem>> -> memref<80xi32, #tpu.memory_space<vmem>>
      %dma_start3A_320 = arith.constant 0 : i32
      %dma_start3A_321 = arith.constant 0 : i32
      %dma_start3A_322 = tpu.memref_slice %arg2[%dma_start3A_320, %dma_start3A_321] : memref<10000x128xf32, #tpu.memory_space<hbm>> -> memref<10000x128xf32, #tpu.memory_space<hbm>>
      tpu.enqueue_indirect_dma source(%dma_start3A_322 : memref<10000x128xf32, #tpu.memory_space<hbm>>) target(%arg10 : memref<80x128xf32, #tpu.memory_space<vmem>>) offsets(%dma_start3A_319 : memref<80xi32, #tpu.memory_space<vmem>>) semaphore(%arg13 : memref<!tpu.dma_semaphore, #tpu.memory_space<semaphore_mem>>)
      %dma_wait3A_323 = arith.constant 0 : i32
      %dma_wait3A_324 = tpu.memref_slice %arg6[%add3A_314, %dma_wait3A_323] : memref<25x80xi32, #tpu.memory_space<vmem>> -> memref<1x80xi32, #tpu.memory_space<vmem>>
      %dma_wait3A_325 = tpu.memref_squeeze %dma_wait3A_324 : memref<1x80xi32, #tpu.memory_space<vmem>> -> memref<80xi32, #tpu.memory_space<vmem>>
      %dma_wait3A_326 = arith.constant 0 : i32
      %dma_wait3A_327 = arith.constant 0 : i32
      %dma_wait3A_328 = tpu.memref_slice %arg2[%dma_wait3A_326, %dma_wait3A_327] : memref<10000x128xf32, #tpu.memory_space<hbm>> -> memref<10000x128xf32, #tpu.memory_space<hbm>>
      tpu.wait_indirect_dma semaphore(%arg12 : memref<!tpu.dma_semaphore, #tpu.memory_space<semaphore_mem>>) src(%dma_wait3A_328 : memref<10000x128xf32, #tpu.memory_space<hbm>>) dst(%arg9 : memref<80x128xf32, #tpu.memory_space<vmem>>)
      "tpu.region"() ({
        %run_scoped3A_347 = tpu.sem_alloc : memref<!tpu.dma_semaphore, #tpu.memory_space<semaphore_mem>>
        %dma_start3A_348 = arith.constant 0 : i32
        %dma_start3A_349 = tpu.memref_slice %arg8[%add3A_314, %dma_start3A_348] : memref<25x80xi32, #tpu.memory_space<vmem>> -> memref<1x80xi32, #tpu.memory_space<vmem>>
        %dma_start3A_350 = tpu.memref_squeeze %dma_start3A_349 : memref<1x80xi32, #tpu.memory_space<vmem>> -> memref<80xi32, #tpu.memory_space<vmem>>
        %dma_start3A_351 = arith.constant 0 : i32
        %dma_start3A_352 = arith.constant 0 : i32
        %dma_start3A_353 = tpu.memref_slice %arg11[%dma_start3A_351, %dma_start3A_352] : memref<10240x128xf32, #tpu.memory_space<vmem_shared>> -> memref<10240x128xf32, #tpu.memory_space<vmem_shared>>
        tpu.enqueue_indirect_dma source(%arg9 : memref<80x128xf32, #tpu.memory_space<vmem>>) target(%dma_start3A_353 : memref<10240x128xf32, #tpu.memory_space<vmem_shared>>) offsets(%dma_start3A_350 : memref<80xi32, #tpu.memory_space<vmem>>) semaphore(%run_scoped3A_347 : memref<!tpu.dma_semaphore, #tpu.memory_space<semaphore_mem>>) {add = true}
        %dma_wait3A_354 = arith.constant 0 : i32
        %dma_wait3A_355 = tpu.memref_slice %arg8[%add3A_314, %dma_wait3A_354] : memref<25x80xi32, #tpu.memory_space<vmem>> -> memref<1x80xi32, #tpu.memory_space<vmem>>
        %dma_wait3A_356 = tpu.memref_squeeze %dma_wait3A_355 : memref<1x80xi32, #tpu.memory_space<vmem>> -> memref<80xi32, #tpu.memory_space<vmem>>
        %dma_wait3A_357 = arith.constant 0 : i32
        %dma_wait3A_358 = arith.constant 0 : i32
        %dma_wait3A_359 = tpu.memref_slice %arg11[%dma_wait3A_357, %dma_wait3A_358] : memref<10240x128xf32, #tpu.memory_space<vmem_shared>> -> memref<10240x128xf32, #tpu.memory_space<vmem_shared>>
        tpu.wait_indirect_dma semaphore(%run_scoped3A_347 : memref<!tpu.dma_semaphore, #tpu.memory_space<semaphore_mem>>) src(%arg9 : memref<80x128xf32, #tpu.memory_space<vmem>>) dst(%dma_wait3A_359 : memref<10240x128xf32, #tpu.memory_space<vmem_shared>>)
        tpu.yield
      }) : () -> ()
      %add3A_329 = arith.constant 2 : i32
      %add3A_330 = arith.addi %add3A_314, %add3A_329 : i32
      %dma_start3A_331 = arith.constant 0 : i32
      %dma_start3A_332 = tpu.memref_slice %arg6[%add3A_330, %dma_start3A_331] : memref<25x80xi32, #tpu.memory_space<vmem>> -> memref<1x80xi32, #tpu.memory_space<vmem>>
      %dma_start3A_333 = tpu.memref_squeeze %dma_start3A_332 : memref<1x80xi32, #tpu.memory_space<vmem>> -> memref<80xi32, #tpu.memory_space<vmem>>
      %dma_start3A_334 = arith.constant 0 : i32
      %dma_start3A_335 = arith.constant 0 : i32
      %dma_start3A_336 = tpu.memref_slice %arg2[%dma_start3A_334, %dma_start3A_335] : memref<10000x128xf32, #tpu.memory_space<hbm>> -> memref<10000x128xf32, #tpu.memory_space<hbm>>
      tpu.enqueue_indirect_dma source(%dma_start3A_336 : memref<10000x128xf32, #tpu.memory_space<hbm>>) target(%arg9 : memref<80x128xf32, #tpu.memory_space<vmem>>) offsets(%dma_start3A_333 : memref<80xi32, #tpu.memory_space<vmem>>) semaphore(%arg12 : memref<!tpu.dma_semaphore, #tpu.memory_space<semaphore_mem>>)
      %add3A_337 = arith.constant 1 : i32
      %add3A_338 = arith.addi %add3A_314, %add3A_337 : i32
      %dma_wait3A_339 = arith.constant 0 : i32
      %dma_wait3A_340 = tpu.memref_slice %arg6[%add3A_338, %dma_wait3A_339] : memref<25x80xi32, #tpu.memory_space<vmem>> -> memref<1x80xi32, #tpu.memory_space<vmem>>
      %dma_wait3A_341 = tpu.memref_squeeze %dma_wait3A_340 : memref<1x80xi32, #tpu.memory_space<vmem>> -> memref<80xi32, #tpu.memory_space<vmem>>
      %dma_wait3A_342 = arith.constant 0 : i32
      %dma_wait3A_343 = arith.constant 0 : i32
      %dma_wait3A_344 = tpu.memref_slice %arg2[%dma_wait3A_342, %dma_wait3A_343] : memref<10000x128xf32, #tpu.memory_space<hbm>> -> memref<10000x128xf32, #tpu.memory_space<hbm>>
      tpu.wait_indirect_dma semaphore(%arg13 : memref<!tpu.dma_semaphore, #tpu.memory_space<semaphore_mem>>) src(%dma_wait3A_344 : memref<10000x128xf32, #tpu.memory_space<hbm>>) dst(%arg10 : memref<80x128xf32, #tpu.memory_space<vmem>>)
      %add3A_345 = arith.constant 1 : i32
      %add3A_346 = arith.addi %add3A_314, %add3A_345 : i32
      "tpu.region"() ({
        %run_scoped3A_347 = tpu.sem_alloc : memref<!tpu.dma_semaphore, #tpu.memory_space<semaphore_mem>>
        %dma_start3A_348 = arith.constant 0 : i32
        %dma_start3A_349 = tpu.memref_slice %arg8[%add3A_346, %dma_start3A_348] : memref<25x80xi32, #tpu.memory_space<vmem>> -> memref<1x80xi32, #tpu.memory_space<vmem>>
        %dma_start3A_350 = tpu.memref_squeeze %dma_start3A_349 : memref<1x80xi32, #tpu.memory_space<vmem>> -> memref<80xi32, #tpu.memory_space<vmem>>
        %dma_start3A_351 = arith.constant 0 : i32
        %dma_start3A_352 = arith.constant 0 : i32
        %dma_start3A_353 = tpu.memref_slice %arg11[%dma_start3A_351, %dma_start3A_352] : memref<10240x128xf32, #tpu.memory_space<vmem_shared>> -> memref<10240x128xf32, #tpu.memory_space<vmem_shared>>
        tpu.enqueue_indirect_dma source(%arg10 : memref<80x128xf32, #tpu.memory_space<vmem>>) target(%dma_start3A_353 : memref<10240x128xf32, #tpu.memory_space<vmem_shared>>) offsets(%dma_start3A_350 : memref<80xi32, #tpu.memory_space<vmem>>) semaphore(%run_scoped3A_347 : memref<!tpu.dma_semaphore, #tpu.memory_space<semaphore_mem>>) {add = true}
        %dma_wait3A_354 = arith.constant 0 : i32
        %dma_wait3A_355 = tpu.memref_slice %arg8[%add3A_346, %dma_wait3A_354] : memref<25x80xi32, #tpu.memory_space<vmem>> -> memref<1x80xi32, #tpu.memory_space<vmem>>
        %dma_wait3A_356 = tpu.memref_squeeze %dma_wait3A_355 : memref<1x80xi32, #tpu.memory_space<vmem>> -> memref<80xi32, #tpu.memory_space<vmem>>
        %dma_wait3A_357 = arith.constant 0 : i32
        %dma_wait3A_358 = arith.constant 0 : i32
        %dma_wait3A_359 = tpu.memref_slice %arg11[%dma_wait3A_357, %dma_wait3A_358] : memref<10240x128xf32, #tpu.memory_space<vmem_shared>> -> memref<10240x128xf32, #tpu.memory_space<vmem_shared>>
        tpu.wait_indirect_dma semaphore(%run_scoped3A_347 : memref<!tpu.dma_semaphore, #tpu.memory_space<semaphore_mem>>) src(%arg10 : memref<80x128xf32, #tpu.memory_space<vmem>>) dst(%dma_wait3A_359 : memref<10240x128xf32, #tpu.memory_space<vmem_shared>>)
        tpu.yield
      }) : () -> ()
    }
    %scan3A_260 = arith.constant 12 : i32
    %dma_wait3A_261 = arith.constant 24 : i32
    %dma_wait3A_262 = arith.constant 0 : i32
    %dma_wait3A_263 = tpu.memref_slice %arg6[%dma_wait3A_261, %dma_wait3A_262] : memref<25x80xi32, #tpu.memory_space<vmem>> -> memref<1x80xi32, #tpu.memory_space<vmem>>
    %dma_wait3A_264 = tpu.memref_squeeze %dma_wait3A_263 : memref<1x80xi32, #tpu.memory_space<vmem>> -> memref<80xi32, #tpu.memory_space<vmem>>
    %dma_wait3A_265 = arith.constant 0 : i32
    %dma_wait3A_266 = arith.constant 0 : i32
    %dma_wait3A_267 = tpu.memref_slice %arg2[%dma_wait3A_265, %dma_wait3A_266] : memref<10000x128xf32, #tpu.memory_space<hbm>> -> memref<10000x128xf32, #tpu.memory_space<hbm>>
    tpu.wait_indirect_dma semaphore(%arg12 : memref<!tpu.dma_semaphore, #tpu.memory_space<semaphore_mem>>) src(%dma_wait3A_267 : memref<10000x128xf32, #tpu.memory_space<hbm>>) dst(%arg9 : memref<80x128xf32, #tpu.memory_space<vmem>>)
    %run_scoped3A_268 = arith.constant 24 : i32
    "tpu.region"() ({
      %run_scoped3A_310 = tpu.sem_alloc : memref<!tpu.dma_semaphore, #tpu.memory_space<semaphore_mem>>
      %dma_start3A_311 = arith.constant 0 : i32
      %dma_start3A_312 = tpu.memref_slice %arg8[%run_scoped3A_268, %dma_start3A_311] : memref<25x80xi32, #tpu.memory_space<vmem>> -> memref<1x80xi32, #tpu.memory_space<vmem>>
      %dma_start3A_313 = tpu.memref_squeeze %dma_start3A_312 : memref<1x80xi32, #tpu.memory_space<vmem>> -> memref<80xi32, #tpu.memory_space<vmem>>
      %dma_start3A_314 = arith.constant 0 : i32
      %dma_start3A_315 = arith.constant 0 : i32
      %dma_start3A_316 = tpu.memref_slice %arg11[%dma_start3A_314, %dma_start3A_315] : memref<10240x128xf32, #tpu.memory_space<vmem_shared>> -> memref<10240x128xf32, #tpu.memory_space<vmem_shared>>
      tpu.enqueue_indirect_dma source(%arg9 : memref<80x128xf32, #tpu.memory_space<vmem>>) target(%dma_start3A_316 : memref<10240x128xf32, #tpu.memory_space<vmem_shared>>) offsets(%dma_start3A_313 : memref<80xi32, #tpu.memory_space<vmem>>) semaphore(%run_scoped3A_310 : memref<!tpu.dma_semaphore, #tpu.memory_space<semaphore_mem>>) {add = true}
      %dma_wait3A_317 = arith.constant 0 : i32
      %dma_wait3A_318 = tpu.memref_slice %arg8[%run_scoped3A_268, %dma_wait3A_317] : memref<25x80xi32, #tpu.memory_space<vmem>> -> memref<1x80xi32, #tpu.memory_space<vmem>>
      %dma_wait3A_319 = tpu.memref_squeeze %dma_wait3A_318 : memref<1x80xi32, #tpu.memory_space<vmem>> -> memref<80xi32, #tpu.memory_space<vmem>>
      %dma_wait3A_320 = arith.constant 0 : i32
      %dma_wait3A_321 = arith.constant 0 : i32
      %dma_wait3A_322 = tpu.memref_slice %arg11[%dma_wait3A_320, %dma_wait3A_321] : memref<10240x128xf32, #tpu.memory_space<vmem_shared>> -> memref<10240x128xf32, #tpu.memory_space<vmem_shared>>
      tpu.wait_indirect_dma semaphore(%run_scoped3A_310 : memref<!tpu.dma_semaphore, #tpu.memory_space<semaphore_mem>>) src(%arg9 : memref<80x128xf32, #tpu.memory_space<vmem>>) dst(%dma_wait3A_322 : memref<10240x128xf32, #tpu.memory_space<vmem_shared>>)
      tpu.yield
    }) : () -> ()
    %dma_wait3A_269 = arith.constant 0 : i32
    %dma_wait3A_270 = arith.constant 4 : i32
    %dma_wait3A_271 = arith.constant 0 : i32
    %dma_wait3A_272 = arith.constant 0 : i32
    %dma_wait3A_273 = tpu.memref_slice %arg3[%dma_wait3A_269, %add3A, %dma_wait3A_270, %dma_wait3A_271, %dma_wait3A_272] : memref<2x32x5x25x80xi32, #tpu.memory_space<hbm>> -> memref<1x1x1x25x80xi32, #tpu.memory_space<hbm>>
    %dma_wait3A_274 = tpu.memref_squeeze %dma_wait3A_273 : memref<1x1x1x25x80xi32, #tpu.memory_space<hbm>> -> memref<25x80xi32, #tpu.memory_space<hbm>>
    %dma_wait3A_275 = arith.constant 0 : i32
    %dma_wait3A_276 = arith.constant 0 : i32
    %dma_wait3A_277 = tpu.memref_slice %arg3[%dma_wait3A_269, %add3A, %dma_wait3A_270, %dma_wait3A_275, %dma_wait3A_276] : memref<2x32x5x25x80xi32, #tpu.memory_space<hbm>> -> memref<1x1x1x25x80xi32, #tpu.memory_space<hbm>>
    %dma_wait3A_278 = tpu.memref_squeeze %dma_wait3A_277 : memref<1x1x1x25x80xi32, #tpu.memory_space<hbm>> -> memref<25x80xi32, #tpu.memory_space<hbm>>
    tpu.wait_dma2 semaphore(%arg14 : memref<!tpu.dma_semaphore, #tpu.memory_space<semaphore_mem>>) src(%dma_wait3A_278 : memref<25x80xi32, #tpu.memory_space<hbm>>) dst(%arg5 : memref<25x80xi32, #tpu.memory_space<vmem>>)
    %dma_wait3A_279 = arith.constant 1 : i32
    %dma_wait3A_280 = arith.constant 4 : i32
    %dma_wait3A_281 = arith.constant 0 : i32
    %dma_wait3A_282 = arith.constant 0 : i32
    %dma_wait3A_283 = tpu.memref_slice %arg3[%dma_wait3A_279, %add3A, %dma_wait3A_280, %dma_wait3A_281, %dma_wait3A_282] : memref<2x32x5x25x80xi32, #tpu.memory_space<hbm>> -> memref<1x1x1x25x80xi32, #tpu.memory_space<hbm>>
    %dma_wait3A_284 = tpu.memref_squeeze %dma_wait3A_283 : memref<1x1x1x25x80xi32, #tpu.memory_space<hbm>> -> memref<25x80xi32, #tpu.memory_space<hbm>>
    %dma_wait3A_285 = arith.constant 0 : i32
    %dma_wait3A_286 = arith.constant 0 : i32
    %dma_wait3A_287 = tpu.memref_slice %arg3[%dma_wait3A_279, %add3A, %dma_wait3A_280, %dma_wait3A_285, %dma_wait3A_286] : memref<2x32x5x25x80xi32, #tpu.memory_space<hbm>> -> memref<1x1x1x25x80xi32, #tpu.memory_space<hbm>>
    %dma_wait3A_288 = tpu.memref_squeeze %dma_wait3A_287 : memref<1x1x1x25x80xi32, #tpu.memory_space<hbm>> -> memref<25x80xi32, #tpu.memory_space<hbm>>
    tpu.wait_dma2 semaphore(%arg14 : memref<!tpu.dma_semaphore, #tpu.memory_space<semaphore_mem>>) src(%dma_wait3A_288 : memref<25x80xi32, #tpu.memory_space<hbm>>) dst(%arg7 : memref<25x80xi32, #tpu.memory_space<vmem>>)
    %dma_start3A_289 = arith.constant 0 : i32
    %dma_start3A_290 = arith.constant 0 : i32
    %dma_start3A_291 = tpu.memref_slice %arg5[%dma_start3A_289, %dma_start3A_290] : memref<25x80xi32, #tpu.memory_space<vmem>> -> memref<1x80xi32, #tpu.memory_space<vmem>>
    %dma_start3A_292 = tpu.memref_squeeze %dma_start3A_291 : memref<1x80xi32, #tpu.memory_space<vmem>> -> memref<80xi32, #tpu.memory_space<vmem>>
    %dma_start3A_293 = arith.constant 0 : i32
    %dma_start3A_294 = arith.constant 0 : i32
    %dma_start3A_295 = tpu.memref_slice %arg2[%dma_start3A_293, %dma_start3A_294] : memref<10000x128xf32, #tpu.memory_space<hbm>> -> memref<10000x128xf32, #tpu.memory_space<hbm>>
    tpu.enqueue_indirect_dma source(%dma_start3A_295 : memref<10000x128xf32, #tpu.memory_space<hbm>>) target(%arg9 : memref<80x128xf32, #tpu.memory_space<vmem>>) offsets(%dma_start3A_292 : memref<80xi32, #tpu.memory_space<vmem>>) semaphore(%arg12 : memref<!tpu.dma_semaphore, #tpu.memory_space<semaphore_mem>>)
    %scan3A_296 = arith.constant 0 : i32
    %scan3A_297 = arith.constant 12 : i32
    %scan3A_298 = arith.addi %scan3A_296, %scan3A_297 : i32
    %scan3A_299 = arith.constant 1 : i32
    scf.for %scan3A_310 = %scan3A_296 to %scan3A_298 step %scan3A_299  : i32 {
      %mul3A_311 = arith.constant 2 : i32
      %mul3A_312 = arith.muli %scan3A_310, %mul3A_311 : i32
      %add3A_313 = arith.constant 0 : i32
      %add3A_314 = arith.addi %add3A_313, %mul3A_312 : i32
      %add3A_315 = arith.constant 1 : i32
      %add3A_316 = arith.addi %add3A_314, %add3A_315 : i32
      %dma_start3A_317 = arith.constant 0 : i32
      %dma_start3A_318 = tpu.memref_slice %arg5[%add3A_316, %dma_start3A_317] : memref<25x80xi32, #tpu.memory_space<vmem>> -> memref<1x80xi32, #tpu.memory_space<vmem>>
      %dma_start3A_319 = tpu.memref_squeeze %dma_start3A_318 : memref<1x80xi32, #tpu.memory_space<vmem>> -> memref<80xi32, #tpu.memory_space<vmem>>
      %dma_start3A_320 = arith.constant 0 : i32
      %dma_start3A_321 = arith.constant 0 : i32
      %dma_start3A_322 = tpu.memref_slice %arg2[%dma_start3A_320, %dma_start3A_321] : memref<10000x128xf32, #tpu.memory_space<hbm>> -> memref<10000x128xf32, #tpu.memory_space<hbm>>
      tpu.enqueue_indirect_dma source(%dma_start3A_322 : memref<10000x128xf32, #tpu.memory_space<hbm>>) target(%arg10 : memref<80x128xf32, #tpu.memory_space<vmem>>) offsets(%dma_start3A_319 : memref<80xi32, #tpu.memory_space<vmem>>) semaphore(%arg13 : memref<!tpu.dma_semaphore, #tpu.memory_space<semaphore_mem>>)
      %dma_wait3A_323 = arith.constant 0 : i32
      %dma_wait3A_324 = tpu.memref_slice %arg5[%add3A_314, %dma_wait3A_323] : memref<25x80xi32, #tpu.memory_space<vmem>> -> memref<1x80xi32, #tpu.memory_space<vmem>>
      %dma_wait3A_325 = tpu.memref_squeeze %dma_wait3A_324 : memref<1x80xi32, #tpu.memory_space<vmem>> -> memref<80xi32, #tpu.memory_space<vmem>>
      %dma_wait3A_326 = arith.constant 0 : i32
      %dma_wait3A_327 = arith.constant 0 : i32
      %dma_wait3A_328 = tpu.memref_slice %arg2[%dma_wait3A_326, %dma_wait3A_327] : memref<10000x128xf32, #tpu.memory_space<hbm>> -> memref<10000x128xf32, #tpu.memory_space<hbm>>
      tpu.wait_indirect_dma semaphore(%arg12 : memref<!tpu.dma_semaphore, #tpu.memory_space<semaphore_mem>>) src(%dma_wait3A_328 : memref<10000x128xf32, #tpu.memory_space<hbm>>) dst(%arg9 : memref<80x128xf32, #tpu.memory_space<vmem>>)
      "tpu.region"() ({
        %run_scoped3A_347 = tpu.sem_alloc : memref<!tpu.dma_semaphore, #tpu.memory_space<semaphore_mem>>
        %dma_start3A_348 = arith.constant 0 : i32
        %dma_start3A_349 = tpu.memref_slice %arg7[%add3A_314, %dma_start3A_348] : memref<25x80xi32, #tpu.memory_space<vmem>> -> memref<1x80xi32, #tpu.memory_space<vmem>>
        %dma_start3A_350 = tpu.memref_squeeze %dma_start3A_349 : memref<1x80xi32, #tpu.memory_space<vmem>> -> memref<80xi32, #tpu.memory_space<vmem>>
        %dma_start3A_351 = arith.constant 0 : i32
        %dma_start3A_352 = arith.constant 0 : i32
        %dma_start3A_353 = tpu.memref_slice %arg11[%dma_start3A_351, %dma_start3A_352] : memref<10240x128xf32, #tpu.memory_space<vmem_shared>> -> memref<10240x128xf32, #tpu.memory_space<vmem_shared>>
        tpu.enqueue_indirect_dma source(%arg9 : memref<80x128xf32, #tpu.memory_space<vmem>>) target(%dma_start3A_353 : memref<10240x128xf32, #tpu.memory_space<vmem_shared>>) offsets(%dma_start3A_350 : memref<80xi32, #tpu.memory_space<vmem>>) semaphore(%run_scoped3A_347 : memref<!tpu.dma_semaphore, #tpu.memory_space<semaphore_mem>>) {add = true}
        %dma_wait3A_354 = arith.constant 0 : i32
        %dma_wait3A_355 = tpu.memref_slice %arg7[%add3A_314, %dma_wait3A_354] : memref<25x80xi32, #tpu.memory_space<vmem>> -> memref<1x80xi32, #tpu.memory_space<vmem>>
        %dma_wait3A_356 = tpu.memref_squeeze %dma_wait3A_355 : memref<1x80xi32, #tpu.memory_space<vmem>> -> memref<80xi32, #tpu.memory_space<vmem>>
        %dma_wait3A_357 = arith.constant 0 : i32
        %dma_wait3A_358 = arith.constant 0 : i32
        %dma_wait3A_359 = tpu.memref_slice %arg11[%dma_wait3A_357, %dma_wait3A_358] : memref<10240x128xf32, #tpu.memory_space<vmem_shared>> -> memref<10240x128xf32, #tpu.memory_space<vmem_shared>>
        tpu.wait_indirect_dma semaphore(%run_scoped3A_347 : memref<!tpu.dma_semaphore, #tpu.memory_space<semaphore_mem>>) src(%arg9 : memref<80x128xf32, #tpu.memory_space<vmem>>) dst(%dma_wait3A_359 : memref<10240x128xf32, #tpu.memory_space<vmem_shared>>)
        tpu.yield
      }) : () -> ()
      %add3A_329 = arith.constant 2 : i32
      %add3A_330 = arith.addi %add3A_314, %add3A_329 : i32
      %dma_start3A_331 = arith.constant 0 : i32
      %dma_start3A_332 = tpu.memref_slice %arg5[%add3A_330, %dma_start3A_331] : memref<25x80xi32, #tpu.memory_space<vmem>> -> memref<1x80xi32, #tpu.memory_space<vmem>>
      %dma_start3A_333 = tpu.memref_squeeze %dma_start3A_332 : memref<1x80xi32, #tpu.memory_space<vmem>> -> memref<80xi32, #tpu.memory_space<vmem>>
      %dma_start3A_334 = arith.constant 0 : i32
      %dma_start3A_335 = arith.constant 0 : i32
      %dma_start3A_336 = tpu.memref_slice %arg2[%dma_start3A_334, %dma_start3A_335] : memref<10000x128xf32, #tpu.memory_space<hbm>> -> memref<10000x128xf32, #tpu.memory_space<hbm>>
      tpu.enqueue_indirect_dma source(%dma_start3A_336 : memref<10000x128xf32, #tpu.memory_space<hbm>>) target(%arg9 : memref<80x128xf32, #tpu.memory_space<vmem>>) offsets(%dma_start3A_333 : memref<80xi32, #tpu.memory_space<vmem>>) semaphore(%arg12 : memref<!tpu.dma_semaphore, #tpu.memory_space<semaphore_mem>>)
      %add3A_337 = arith.constant 1 : i32
      %add3A_338 = arith.addi %add3A_314, %add3A_337 : i32
      %dma_wait3A_339 = arith.constant 0 : i32
      %dma_wait3A_340 = tpu.memref_slice %arg5[%add3A_338, %dma_wait3A_339] : memref<25x80xi32, #tpu.memory_space<vmem>> -> memref<1x80xi32, #tpu.memory_space<vmem>>
      %dma_wait3A_341 = tpu.memref_squeeze %dma_wait3A_340 : memref<1x80xi32, #tpu.memory_space<vmem>> -> memref<80xi32, #tpu.memory_space<vmem>>
      %dma_wait3A_342 = arith.constant 0 : i32
      %dma_wait3A_343 = arith.constant 0 : i32
      %dma_wait3A_344 = tpu.memref_slice %arg2[%dma_wait3A_342, %dma_wait3A_343] : memref<10000x128xf32, #tpu.memory_space<hbm>> -> memref<10000x128xf32, #tpu.memory_space<hbm>>
      tpu.wait_indirect_dma semaphore(%arg13 : memref<!tpu.dma_semaphore, #tpu.memory_space<semaphore_mem>>) src(%dma_wait3A_344 : memref<10000x128xf32, #tpu.memory_space<hbm>>) dst(%arg10 : memref<80x128xf32, #tpu.memory_space<vmem>>)
      %add3A_345 = arith.constant 1 : i32
      %add3A_346 = arith.addi %add3A_314, %add3A_345 : i32
      "tpu.region"() ({
        %run_scoped3A_347 = tpu.sem_alloc : memref<!tpu.dma_semaphore, #tpu.memory_space<semaphore_mem>>
        %dma_start3A_348 = arith.constant 0 : i32
        %dma_start3A_349 = tpu.memref_slice %arg7[%add3A_346, %dma_start3A_348] : memref<25x80xi32, #tpu.memory_space<vmem>> -> memref<1x80xi32, #tpu.memory_space<vmem>>
        %dma_start3A_350 = tpu.memref_squeeze %dma_start3A_349 : memref<1x80xi32, #tpu.memory_space<vmem>> -> memref<80xi32, #tpu.memory_space<vmem>>
        %dma_start3A_351 = arith.constant 0 : i32
        %dma_start3A_352 = arith.constant 0 : i32
        %dma_start3A_353 = tpu.memref_slice %arg11[%dma_start3A_351, %dma_start3A_352] : memref<10240x128xf32, #tpu.memory_space<vmem_shared>> -> memref<10240x128xf32, #tpu.memory_space<vmem_shared>>
        tpu.enqueue_indirect_dma source(%arg10 : memref<80x128xf32, #tpu.memory_space<vmem>>) target(%dma_start3A_353 : memref<10240x128xf32, #tpu.memory_space<vmem_shared>>) offsets(%dma_start3A_350 : memref<80xi32, #tpu.memory_space<vmem>>) semaphore(%run_scoped3A_347 : memref<!tpu.dma_semaphore, #tpu.memory_space<semaphore_mem>>) {add = true}
        %dma_wait3A_354 = arith.constant 0 : i32
        %dma_wait3A_355 = tpu.memref_slice %arg7[%add3A_346, %dma_wait3A_354] : memref<25x80xi32, #tpu.memory_space<vmem>> -> memref<1x80xi32, #tpu.memory_space<vmem>>
        %dma_wait3A_356 = tpu.memref_squeeze %dma_wait3A_355 : memref<1x80xi32, #tpu.memory_space<vmem>> -> memref<80xi32, #tpu.memory_space<vmem>>
        %dma_wait3A_357 = arith.constant 0 : i32
        %dma_wait3A_358 = arith.constant 0 : i32
        %dma_wait3A_359 = tpu.memref_slice %arg11[%dma_wait3A_357, %dma_wait3A_358] : memref<10240x128xf32, #tpu.memory_space<vmem_shared>> -> memref<10240x128xf32, #tpu.memory_space<vmem_shared>>
        tpu.wait_indirect_dma semaphore(%run_scoped3A_347 : memref<!tpu.dma_semaphore, #tpu.memory_space<semaphore_mem>>) src(%arg10 : memref<80x128xf32, #tpu.memory_space<vmem>>) dst(%dma_wait3A_359 : memref<10240x128xf32, #tpu.memory_space<vmem_shared>>)
        tpu.yield
      }) : () -> ()
    }
    %scan3A_300 = arith.constant 12 : i32
    %dma_wait3A_301 = arith.constant 24 : i32
    %dma_wait3A_302 = arith.constant 0 : i32
    %dma_wait3A_303 = tpu.memref_slice %arg5[%dma_wait3A_301, %dma_wait3A_302] : memref<25x80xi32, #tpu.memory_space<vmem>> -> memref<1x80xi32, #tpu.memory_space<vmem>>
    %dma_wait3A_304 = tpu.memref_squeeze %dma_wait3A_303 : memref<1x80xi32, #tpu.memory_space<vmem>> -> memref<80xi32, #tpu.memory_space<vmem>>
    %dma_wait3A_305 = arith.constant 0 : i32
    %dma_wait3A_306 = arith.constant 0 : i32
    %dma_wait3A_307 = tpu.memref_slice %arg2[%dma_wait3A_305, %dma_wait3A_306] : memref<10000x128xf32, #tpu.memory_space<hbm>> -> memref<10000x128xf32, #tpu.memory_space<hbm>>
    tpu.wait_indirect_dma semaphore(%arg12 : memref<!tpu.dma_semaphore, #tpu.memory_space<semaphore_mem>>) src(%dma_wait3A_307 : memref<10000x128xf32, #tpu.memory_space<hbm>>) dst(%arg9 : memref<80x128xf32, #tpu.memory_space<vmem>>)
    %run_scoped3A_308 = arith.constant 24 : i32
    "tpu.region"() ({
      %run_scoped3A_310 = tpu.sem_alloc : memref<!tpu.dma_semaphore, #tpu.memory_space<semaphore_mem>>
      %dma_start3A_311 = arith.constant 0 : i32
      %dma_start3A_312 = tpu.memref_slice %arg7[%run_scoped3A_308, %dma_start3A_311] : memref<25x80xi32, #tpu.memory_space<vmem>> -> memref<1x80xi32, #tpu.memory_space<vmem>>
      %dma_start3A_313 = tpu.memref_squeeze %dma_start3A_312 : memref<1x80xi32, #tpu.memory_space<vmem>> -> memref<80xi32, #tpu.memory_space<vmem>>
      %dma_start3A_314 = arith.constant 0 : i32
      %dma_start3A_315 = arith.constant 0 : i32
      %dma_start3A_316 = tpu.memref_slice %arg11[%dma_start3A_314, %dma_start3A_315] : memref<10240x128xf32, #tpu.memory_space<vmem_shared>> -> memref<10240x128xf32, #tpu.memory_space<vmem_shared>>
      tpu.enqueue_indirect_dma source(%arg9 : memref<80x128xf32, #tpu.memory_space<vmem>>) target(%dma_start3A_316 : memref<10240x128xf32, #tpu.memory_space<vmem_shared>>) offsets(%dma_start3A_313 : memref<80xi32, #tpu.memory_space<vmem>>) semaphore(%run_scoped3A_310 : memref<!tpu.dma_semaphore, #tpu.memory_space<semaphore_mem>>) {add = true}
      %dma_wait3A_317 = arith.constant 0 : i32
      %dma_wait3A_318 = tpu.memref_slice %arg7[%run_scoped3A_308, %dma_wait3A_317] : memref<25x80xi32, #tpu.memory_space<vmem>> -> memref<1x80xi32, #tpu.memory_space<vmem>>
      %dma_wait3A_319 = tpu.memref_squeeze %dma_wait3A_318 : memref<1x80xi32, #tpu.memory_space<vmem>> -> memref<80xi32, #tpu.memory_space<vmem>>
      %dma_wait3A_320 = arith.constant 0 : i32
      %dma_wait3A_321 = arith.constant 0 : i32
      %dma_wait3A_322 = tpu.memref_slice %arg11[%dma_wait3A_320, %dma_wait3A_321] : memref<10240x128xf32, #tpu.memory_space<vmem_shared>> -> memref<10240x128xf32, #tpu.memory_space<vmem_shared>>
      tpu.wait_indirect_dma semaphore(%run_scoped3A_310 : memref<!tpu.dma_semaphore, #tpu.memory_space<semaphore_mem>>) src(%arg9 : memref<80x128xf32, #tpu.memory_space<vmem>>) dst(%dma_wait3A_322 : memref<10240x128xf32, #tpu.memory_space<vmem_shared>>)
      tpu.yield
    }) : () -> ()
    %barrier3A_309 = arith.constant 0 : index
    tpu.barrier barrier_id(%barrier3A_309)
    "tpu.region"() ({
      %run_scoped3A_310 = tpu.sem_alloc : memref<!tpu.dma_semaphore, #tpu.memory_space<semaphore_mem>>
      %dma_start3A_311 = arith.constant 0 : i32
      %dma_start3A_312 = tpu.memref_slice %arg4[%arg0, %mul3A_2, %dma_start3A_311] : memref<2x10240x128xf32, #tpu.memory_space<hbm>> -> memref<1x640x128xf32, #tpu.memory_space<hbm>>
      %dma_start3A_313 = tpu.memref_squeeze %dma_start3A_312 : memref<1x640x128xf32, #tpu.memory_space<hbm>> -> memref<640x128xf32, #tpu.memory_space<hbm>>
      %dma_start3A_314 = arith.constant 0 : i32
      %dma_start3A_315 = tpu.memref_slice %arg11[%mul3A_2, %dma_start3A_314] : memref<10240x128xf32, #tpu.memory_space<vmem_shared>> -> memref<640x128xf32, #tpu.memory_space<vmem_shared>>
      tpu.enqueue_dma source(%dma_start3A_315 : memref<640x128xf32, #tpu.memory_space<vmem_shared>>) target(%dma_start3A_313 : memref<640x128xf32, #tpu.memory_space<hbm>>) target_semaphore(%run_scoped3A_310 : memref<!tpu.dma_semaphore, #tpu.memory_space<semaphore_mem>>)
      %dma_wait3A_316 = arith.constant 0 : i32
      %dma_wait3A_317 = tpu.memref_slice %arg4[%arg0, %mul3A_2, %dma_wait3A_316] : memref<2x10240x128xf32, #tpu.memory_space<hbm>> -> memref<1x640x128xf32, #tpu.memory_space<hbm>>
      %dma_wait3A_318 = tpu.memref_squeeze %dma_wait3A_317 : memref<1x640x128xf32, #tpu.memory_space<hbm>> -> memref<640x128xf32, #tpu.memory_space<hbm>>
      %dma_wait3A_319 = arith.constant 0 : i32
      %dma_wait3A_320 = tpu.memref_slice %arg11[%mul3A_2, %dma_wait3A_319] : memref<10240x128xf32, #tpu.memory_space<vmem_shared>> -> memref<640x128xf32, #tpu.memory_space<vmem_shared>>
      tpu.wait_dma2 semaphore(%run_scoped3A_310 : memref<!tpu.dma_semaphore, #tpu.memory_space<semaphore_mem>>) src(%dma_wait3A_320 : memref<640x128xf32, #tpu.memory_space<vmem_shared>>) dst(%dma_wait3A_318 : memref<640x128xf32, #tpu.memory_space<hbm>>)
      tpu.yield
    }) : () -> ()
    return
  }
}

module attributes {stable_mosaic.version = 14 : i64} {
  func.func @_epilogue_body(%arg0: i32, %arg1: memref<2000x128xf32, #tpu.memory_space<vmem>>, %arg2: memref<1x2000x128xf32, #tpu.memory_space<vmem>>, %arg3: memref<1x2000x128xf32, #tpu.memory_space<vmem>>, %arg4: memref<128x128xf32, #tpu.memory_space<vmem>>, %arg5: memref<1x128xf32, #tpu.memory_space<vmem>>, %arg6: memref<1x128xf32, #tpu.memory_space<vmem>>, %arg7: memref<128x16xf32, #tpu.memory_space<vmem>>, %arg8: memref<1x16xf32, #tpu.memory_space<vmem>>, %arg9: memref<2000x16xf32, #tpu.memory_space<vmem>>, %arg10: memref<16x128xf32, #tpu.memory_space<vmem>>, %arg11: memref<16x128xf32, #tpu.memory_space<vmem>>, %arg12: memref<16x128xf32, #tpu.memory_space<vmem>>) attributes {dimension_semantics = [#tpu.dimension_semantics<arbitrary>], iteration_bounds = array<i64: 5>, scalar_prefetch = 0 : i64, scratch_operands = 2 : i64, tpu.core_type = #tpu.core_type<tc>, window_params = [{transform_indices = @transform_0, window_bounds = array<i64: 2000, 128>}, {transform_indices = @transform_1, window_bounds = array<i64: 1, 2000, 128>}, {transform_indices = @transform_2, window_bounds = array<i64: 1, 2000, 128>}, {pipeline_mode = #tpu.pipeline_mode<synchronous>, transform_indices = @transform_3, window_bounds = array<i64: 128, 128>}, {pipeline_mode = #tpu.pipeline_mode<synchronous>, transform_indices = @transform_4, window_bounds = array<i64: 1, 128>}, {pipeline_mode = #tpu.pipeline_mode<synchronous>, transform_indices = @transform_5, window_bounds = array<i64: 1, 128>}, {pipeline_mode = #tpu.pipeline_mode<synchronous>, transform_indices = @transform_6, window_bounds = array<i64: 128, 16>}, {pipeline_mode = #tpu.pipeline_mode<synchronous>, transform_indices = @transform_7, window_bounds = array<i64: 1, 16>}, {transform_indices = @transform_8, window_bounds = array<i64: 2000, 16>}, {pipeline_mode = #tpu.pipeline_mode<synchronous>, transform_indices = @transform_9, window_bounds = array<i64: 16, 128>}]} {
    %eq3A = arith.constant 0 : i32
    %eq3A_0 = arith.cmpi eq, %arg0, %eq3A : i32
    %convert_element_type3A = arith.extui %eq3A_0 : i1 to i32
    %cond3A = arith.constant 0 : i32
    %cond3A_1 = arith.cmpi ne, %convert_element_type3A, %cond3A : i32
    scf.if %cond3A_1 {
      %broadcast_in_dim3A_89 = arith.constant 0.000000e+00 : f32
      %broadcast_in_dim3A_90 = vector.broadcast %broadcast_in_dim3A_89 : f32 to vector<16x128xf32>
      %swap3A_91 = arith.constant 0 : index
      %swap3A_92 = arith.constant 0 : index
      %swap3A_93 = vector.load %arg11[%swap3A_91, %swap3A_92] : memref<16x128xf32, #tpu.memory_space<vmem>>, vector<16x128xf32>
      tpu.vector_store %arg11[%swap3A_91, %swap3A_92], %broadcast_in_dim3A_90 {strides = array<i32>} : memref<16x128xf32, #tpu.memory_space<vmem>>, vector<16x128xf32>,
      %broadcast_in_dim3A_94 = arith.constant 0.000000e+00 : f32
      %broadcast_in_dim3A_95 = vector.broadcast %broadcast_in_dim3A_94 : f32 to vector<16x128xf32>
      %swap3A_96 = arith.constant 0 : index
      %swap3A_97 = arith.constant 0 : index
      %swap3A_98 = vector.load %arg12[%swap3A_96, %swap3A_97] : memref<16x128xf32, #tpu.memory_space<vmem>>, vector<16x128xf32>
      tpu.vector_store %arg12[%swap3A_96, %swap3A_97], %broadcast_in_dim3A_95 {strides = array<i32>} : memref<16x128xf32, #tpu.memory_space<vmem>>, vector<16x128xf32>,
    } else {
    }
    %get3A = arith.constant 0 : index
    %get3A_2 = arith.constant 0 : index
    %get3A_3 = vector.load %arg1[%get3A, %get3A_2] : memref<2000x128xf32, #tpu.memory_space<vmem>>, vector<2000x128xf32>
    %get3A_4 = arith.constant 0 : index
    %get3A_5 = arith.constant 0 : index
    %get3A_6 = vector.load %arg4[%get3A_4, %get3A_5] : memref<128x128xf32, #tpu.memory_space<vmem>>, vector<128x128xf32>
    %dot_general3A = arith.constant dense<0.000000e+00> : vector<2000x128xf32>
    %dot_general3A_7 = tpu.matmul %get3A_3, %get3A_6, %dot_general3A {dimension_numbers = #tpu.dot_dimension_numbers<[1], [0], [0], [1], [0, 0, 1, 1], [], []>, transpose_lhs_hint = false} : vector<2000x128xf32>, vector<128x128xf32>, vector<2000x128xf32> -> vector<2000x128xf32>
    %get3A_8 = arith.constant 0 : index
    %get3A_9 = arith.constant 0 : index
    %get3A_10 = arith.constant 0 : index
    %get3A_11 = vector.load %arg2[%get3A_8, %get3A_9, %get3A_10] : memref<1x2000x128xf32, #tpu.memory_space<vmem>>, vector<1x2000x128xf32>
    %get3A_12 = vector.shape_cast %get3A_11 : vector<1x2000x128xf32> to vector<2000x128xf32>
    %get3A_13 = arith.constant 0 : index
    %get3A_14 = arith.constant 0 : index
    %get3A_15 = arith.constant 0 : index
    %get3A_16 = vector.load %arg3[%get3A_13, %get3A_14, %get3A_15] : memref<1x2000x128xf32, #tpu.memory_space<vmem>>, vector<1x2000x128xf32>
    %get3A_17 = vector.shape_cast %get3A_16 : vector<1x2000x128xf32> to vector<2000x128xf32>
    %add3A = arith.addf %get3A_12, %get3A_17 : vector<2000x128xf32>
    %get3A_18 = arith.constant 0 : index
    %get3A_19 = arith.constant 0 : index
    %get3A_20 = vector.load %arg4[%get3A_18, %get3A_19] : memref<128x128xf32, #tpu.memory_space<vmem>>, vector<128x128xf32>
    %dot_general3A_21 = arith.constant dense<0.000000e+00> : vector<2000x128xf32>
    %dot_general3A_22 = tpu.matmul %add3A, %get3A_20, %dot_general3A_21 {dimension_numbers = #tpu.dot_dimension_numbers<[1], [0], [0], [1], [0, 0, 1, 1], [], []>, transpose_lhs_hint = false} : vector<2000x128xf32>, vector<128x128xf32>, vector<2000x128xf32> -> vector<2000x128xf32>
    %get3A_23 = arith.constant 0 : index
    %get3A_24 = arith.constant 0 : index
    %get3A_25 = vector.load %arg5[%get3A_23, %get3A_24] : memref<1x128xf32, #tpu.memory_space<vmem>>, vector<1x128xf32>
    %mul3A = vector.broadcast %get3A_25 : vector<1x128xf32> to vector<2000x128xf32>
    %mul3A_26 = arith.mulf %dot_general3A_7, %mul3A : vector<2000x128xf32>
    %add3A_27 = arith.addf %mul3A_26, %dot_general3A_22 : vector<2000x128xf32>
    %get3A_28 = arith.constant 0 : index
    %get3A_29 = arith.constant 0 : index
    %get3A_30 = vector.load %arg6[%get3A_28, %get3A_29] : memref<1x128xf32, #tpu.memory_space<vmem>>, vector<1x128xf32>
    %add3A_31 = vector.broadcast %get3A_30 : vector<1x128xf32> to vector<2000x128xf32>
    %add3A_32 = arith.addf %add3A_27, %add3A_31 : vector<2000x128xf32>
    %min3A = arith.constant 0.000000e+00 : f32
    %min3A_33 = vector.broadcast %min3A : f32 to vector<2000x128xf32>
    %min3A_34 = arith.minimumf %add3A_32, %min3A_33 : vector<2000x128xf32>
    %gt3A = arith.constant 0.000000e+00 : f32
    %gt3A_35 = vector.broadcast %gt3A : f32 to vector<2000x128xf32>
    %gt3A_36 = arith.cmpf ogt, %add3A_32, %gt3A_35 : vector<2000x128xf32>
    %exp3A = math.exp %min3A_34 : vector<2000x128xf32>
    %sub3A = arith.constant 1.000000e+00 : f32
    %sub3A_37 = vector.broadcast %sub3A : f32 to vector<2000x128xf32>
    %sub3A_38 = arith.subf %exp3A, %sub3A_37 : vector<2000x128xf32>
    %mul3A_39 = arith.constant 1.67326319 : f32
    %mul3A_40 = vector.broadcast %mul3A_39 : f32 to vector<2000x128xf32>
    %mul3A_41 = arith.mulf %mul3A_40, %sub3A_38 : vector<2000x128xf32>
    %select_n3A = arith.select %gt3A_36, %add3A_32, %mul3A_41 : vector<2000x128xi1>, vector<2000x128xf32>
    %mul3A_42 = arith.constant 1.05070102 : f32
    %mul3A_43 = vector.broadcast %mul3A_42 : f32 to vector<2000x128xf32>
    %mul3A_44 = arith.mulf %mul3A_43, %select_n3A : vector<2000x128xf32>
    %get3A_45 = arith.constant 0 : index
    %get3A_46 = arith.constant 0 : index
    %get3A_47 = vector.load %arg7[%get3A_45, %get3A_46] : memref<128x16xf32, #tpu.memory_space<vmem>>, vector<128x16xf32>
    %dot_general3A_48 = arith.constant dense<0.000000e+00> : vector<2000x16xf32>
    %dot_general3A_49 = tpu.matmul %mul3A_44, %get3A_47, %dot_general3A_48 {dimension_numbers = #tpu.dot_dimension_numbers<[1], [0], [0], [1], [0, 0, 1, 1], [], []>, transpose_lhs_hint = false} : vector<2000x128xf32>, vector<128x16xf32>, vector<2000x16xf32> -> vector<2000x16xf32>
    %get3A_50 = arith.constant 0 : index
    %get3A_51 = arith.constant 0 : index
    %get3A_52 = vector.load %arg8[%get3A_50, %get3A_51] : memref<1x16xf32, #tpu.memory_space<vmem>>, vector<1x16xf32>
    %add3A_53 = vector.broadcast %get3A_52 : vector<1x16xf32> to vector<2000x16xf32>
    %add3A_54 = arith.addf %dot_general3A_49, %add3A_53 : vector<2000x16xf32>
    %reduce_max3A = arith.constant dense<0xFF800000> : vector<2000xf32>
    %reduce_max3A_55 = vector.multi_reduction <maximumf>, %add3A_54, %reduce_max3A [1] : vector<2000x16xf32> to vector<2000xf32>
    %broadcast_in_dim3A = vector.shape_cast %reduce_max3A_55 : vector<2000xf32> to vector<2000x1xf32>
    %sub3A_56 = vector.broadcast %broadcast_in_dim3A : vector<2000x1xf32> to vector<2000x16xf32>
    %sub3A_57 = arith.subf %add3A_54, %sub3A_56 : vector<2000x16xf32>
    %exp3A_58 = math.exp %sub3A_57 : vector<2000x16xf32>
    %reduce_sum3A = arith.constant dense<0.000000e+00> : vector<2000xf32>
    %reduce_sum3A_59 = vector.multi_reduction <add>, %exp3A_58, %reduce_sum3A [1] : vector<2000x16xf32> to vector<2000xf32>
    %broadcast_in_dim3A_60 = vector.shape_cast %reduce_sum3A_59 : vector<2000xf32> to vector<2000x1xf32>
    %div3A = vector.broadcast %broadcast_in_dim3A_60 : vector<2000x1xf32> to vector<2000x16xf32>
    %div3A_61 = arith.divf %exp3A_58, %div3A : vector<2000x16xf32>
    %swap3A = arith.constant 0 : index
    %swap3A_62 = arith.constant 0 : index
    %swap3A_63 = vector.load %arg9[%swap3A, %swap3A_62] : memref<2000x16xf32, #tpu.memory_space<vmem>>, vector<2000x16xf32>
    tpu.vector_store %arg9[%swap3A, %swap3A_62], %div3A_61 {strides = array<i32>} : memref<2000x16xf32, #tpu.memory_space<vmem>>, vector<2000x16xf32>,
    %get3A_64 = arith.constant 0 : index
    %get3A_65 = arith.constant 0 : index
    %get3A_66 = vector.load %arg11[%get3A_64, %get3A_65] : memref<16x128xf32, #tpu.memory_space<vmem>>, vector<16x128xf32>
    %dot_general3A_67 = arith.constant dense<0.000000e+00> : vector<16x128xf32>
    %dot_general3A_68 = tpu.matmul %div3A_61, %mul3A_44, %dot_general3A_67 {dimension_numbers = #tpu.dot_dimension_numbers<[0], [0], [1], [1], [0, 1, 1, 1], [], []>, transpose_lhs_hint = false} : vector<2000x16xf32>, vector<2000x128xf32>, vector<16x128xf32> -> vector<16x128xf32>
    %add3A_69 = arith.addf %get3A_66, %dot_general3A_68 : vector<16x128xf32>
    %swap3A_70 = arith.constant 0 : index
    %swap3A_71 = arith.constant 0 : index
    %swap3A_72 = vector.load %arg11[%swap3A_70, %swap3A_71] : memref<16x128xf32, #tpu.memory_space<vmem>>, vector<16x128xf32>
    tpu.vector_store %arg11[%swap3A_70, %swap3A_71], %add3A_69 {strides = array<i32>} : memref<16x128xf32, #tpu.memory_space<vmem>>, vector<16x128xf32>,
    %broadcast_in_dim3A_73 = arith.constant 1.000000e+00 : f32
    %broadcast_in_dim3A_74 = vector.broadcast %broadcast_in_dim3A_73 : f32 to vector<2000x128xf32>
    %get3A_75 = arith.constant 0 : index
    %get3A_76 = arith.constant 0 : index
    %get3A_77 = vector.load %arg12[%get3A_75, %get3A_76] : memref<16x128xf32, #tpu.memory_space<vmem>>, vector<16x128xf32>
    %dot_general3A_78 = arith.constant dense<0.000000e+00> : vector<16x128xf32>
    %dot_general3A_79 = tpu.matmul %div3A_61, %broadcast_in_dim3A_74, %dot_general3A_78 {dimension_numbers = #tpu.dot_dimension_numbers<[0], [0], [1], [1], [0, 1, 1, 1], [], []>, transpose_lhs_hint = false} : vector<2000x16xf32>, vector<2000x128xf32>, vector<16x128xf32> -> vector<16x128xf32>
    %add3A_80 = arith.addf %get3A_77, %dot_general3A_79 : vector<16x128xf32>
    %swap3A_81 = arith.constant 0 : index
    %swap3A_82 = arith.constant 0 : index
    %swap3A_83 = vector.load %arg12[%swap3A_81, %swap3A_82] : memref<16x128xf32, #tpu.memory_space<vmem>>, vector<16x128xf32>
    tpu.vector_store %arg12[%swap3A_81, %swap3A_82], %add3A_80 {strides = array<i32>} : memref<16x128xf32, #tpu.memory_space<vmem>>, vector<16x128xf32>,
    %eq3A_84 = arith.constant 4 : i32
    %eq3A_85 = arith.cmpi eq, %arg0, %eq3A_84 : i32
    %convert_element_type3A_86 = arith.extui %eq3A_85 : i1 to i32
    %cond3A_87 = arith.constant 0 : i32
    %cond3A_88 = arith.cmpi ne, %convert_element_type3A_86, %cond3A_87 : i32
    scf.if %cond3A_88 {
      %get3A_89 = arith.constant 0 : index
      %get3A_90 = arith.constant 0 : index
      %get3A_91 = vector.load %arg11[%get3A_89, %get3A_90] : memref<16x128xf32, #tpu.memory_space<vmem>>, vector<16x128xf32>
      %get3A_92 = arith.constant 0 : index
      %get3A_93 = arith.constant 0 : index
      %get3A_94 = vector.load %arg12[%get3A_92, %get3A_93] : memref<16x128xf32, #tpu.memory_space<vmem>>, vector<16x128xf32>
      %div3A_95 = arith.divf %get3A_91, %get3A_94 : vector<16x128xf32>
      %min3A_96 = arith.constant 0.000000e+00 : f32
      %min3A_97 = vector.broadcast %min3A_96 : f32 to vector<16x128xf32>
      %min3A_98 = arith.minimumf %div3A_95, %min3A_97 : vector<16x128xf32>
      %gt3A_99 = arith.constant 0.000000e+00 : f32
      %gt3A_100 = vector.broadcast %gt3A_99 : f32 to vector<16x128xf32>
      %gt3A_101 = arith.cmpf ogt, %div3A_95, %gt3A_100 : vector<16x128xf32>
      %exp3A_102 = math.exp %min3A_98 : vector<16x128xf32>
      %sub3A_103 = arith.constant 1.000000e+00 : f32
      %sub3A_104 = vector.broadcast %sub3A_103 : f32 to vector<16x128xf32>
      %sub3A_105 = arith.subf %exp3A_102, %sub3A_104 : vector<16x128xf32>
      %mul3A_106 = arith.constant 1.67326319 : f32
      %mul3A_107 = vector.broadcast %mul3A_106 : f32 to vector<16x128xf32>
      %mul3A_108 = arith.mulf %mul3A_107, %sub3A_105 : vector<16x128xf32>
      %select_n3A_109 = arith.select %gt3A_101, %div3A_95, %mul3A_108 : vector<16x128xi1>, vector<16x128xf32>
      %mul3A_110 = arith.constant 1.05070102 : f32
      %mul3A_111 = vector.broadcast %mul3A_110 : f32 to vector<16x128xf32>
      %mul3A_112 = arith.mulf %mul3A_111, %select_n3A_109 : vector<16x128xf32>
      %swap3A_113 = arith.constant 0 : index
      %swap3A_114 = arith.constant 0 : index
      %swap3A_115 = vector.load %arg10[%swap3A_113, %swap3A_114] : memref<16x128xf32, #tpu.memory_space<vmem>>, vector<16x128xf32>
      tpu.vector_store %arg10[%swap3A_113, %swap3A_114], %mul3A_112 {strides = array<i32>} : memref<16x128xf32, #tpu.memory_space<vmem>>, vector<16x128xf32>,
    } else {
    }
    return
  }
  func.func @transform_0(%arg0: i32) -> (i32, i32) {
    %c0_i32 = arith.constant 0 : i32
    %c0_i32_0 = arith.constant 0 : i32
    return %arg0, %c0_i32 : i32, i32
  }
  func.func @transform_1(%arg0: i32) -> (i32, i32, i32) {
    %c0_i32 = arith.constant 0 : i32
    %c0_i32_0 = arith.constant 0 : i32
    %c0_i32_1 = arith.constant 0 : i32
    return %c0_i32, %arg0, %c0_i32_0 : i32, i32, i32
  }
  func.func @transform_2(%arg0: i32) -> (i32, i32, i32) {
    %c1_i32 = arith.constant 1 : i32
    %c0_i32 = arith.constant 0 : i32
    %c0_i32_0 = arith.constant 0 : i32
    return %c1_i32, %arg0, %c0_i32 : i32, i32, i32
  }
  func.func @transform_3(%arg0: i32) -> (i32, i32) {
    %c0_i32 = arith.constant 0 : i32
    %c0_i32_0 = arith.constant 0 : i32
    %c0_i32_1 = arith.constant 0 : i32
    return %c0_i32, %c0_i32_0 : i32, i32
  }
  func.func @transform_4(%arg0: i32) -> (i32, i32) {
    %c0_i32 = arith.constant 0 : i32
    %c0_i32_0 = arith.constant 0 : i32
    %c0_i32_1 = arith.constant 0 : i32
    return %c0_i32, %c0_i32_0 : i32, i32
  }
  func.func @transform_5(%arg0: i32) -> (i32, i32) {
    %c0_i32 = arith.constant 0 : i32
    %c0_i32_0 = arith.constant 0 : i32
    %c0_i32_1 = arith.constant 0 : i32
    return %c0_i32, %c0_i32_0 : i32, i32
  }
  func.func @transform_6(%arg0: i32) -> (i32, i32) {
    %c0_i32 = arith.constant 0 : i32
    %c0_i32_0 = arith.constant 0 : i32
    %c0_i32_1 = arith.constant 0 : i32
    return %c0_i32, %c0_i32_0 : i32, i32
  }
  func.func @transform_7(%arg0: i32) -> (i32, i32) {
    %c0_i32 = arith.constant 0 : i32
    %c0_i32_0 = arith.constant 0 : i32
    %c0_i32_1 = arith.constant 0 : i32
    return %c0_i32, %c0_i32_0 : i32, i32
  }
  func.func @transform_8(%arg0: i32) -> (i32, i32) {
    %c0_i32 = arith.constant 0 : i32
    %c0_i32_0 = arith.constant 0 : i32
    return %arg0, %c0_i32 : i32, i32
  }
  func.func @transform_9(%arg0: i32) -> (i32, i32) {
    %c0_i32 = arith.constant 0 : i32
    %c0_i32_0 = arith.constant 0 : i32
    %c0_i32_1 = arith.constant 0 : i32
    return %c0_i32, %c0_i32_0 : i32, i32
  }
}

</mosaic_0001>

<sc_bundles>
// kernel: kernel.4.cloned.1.call-start
scs
__scs_entry_jumppad:
0x0: {  	(pc) =	sbr.rel $0x88, $3  }
0x1: {  	(tag) =	ssettag $0x0;
	lr =	simm.s32 $0x1  }
0x2: {  	[smem:$0x3F9A] =	sst lr;
	_ =	strace $0xD0000000  }
0x3: {  	_ = 	snop  }
0x4: {  	_ = 	snop  }
0x5: {  	_ = 	snop  }
0x6: {  	_ = 	snop  }
0x7: {  	_ = 	snop  }
__scs_overlays_trampoline_lowered:
0x8: {  	[smem:$0x3FA9] =	sst s0  }
0x9: {  	[smem:$0x3FAA] =	sst s1  }
0xa: {  	[smem:$0x3FAB] =	sst s2  }
0xb: {  	[smem:$0x3FAC] =	sst s3  }
0xc: {  	[smem:$0x3FAD] =	sst s4  }
0xd: {  	[smem:$0x3FAE] =	sst s5  }
0xe: {  	[smem:$0x3FAF] =	sst s6  }
0xf: {  	[smem:$0x3FB0] =	sst s7  }
0x10: {  	[smem:$0x3FB1] =	sst s8  }
0x11: {  	[smem:$0x3FB2] =	sst s9;
	s0 =	simm.s32 @!p0 $0x0  }
0x12: {  	s1 =	sld [smem:$0x3F98];
	s0 =	simm.s32 @p0 $0x1  }
0x13: {  	[smem:$0x3FB3] =	sst s0;
	s0 =	simm.s32 @!p1 $0x0  }
0x14: {  	s2 =	sld [smem:$0x3F97];
	s0 =	simm.s32 @p1 $0x1  }
0x15: {  	[smem:$0x3FB4] =	sst s0;
	s0 =	simm.s32 @!p2 $0x0  }
0x16: {  	s3 =	sld [smem:$0x3FDB];
	s0 =	simm.s32 @p2 $0x1  }
0x17: {  	s4 =	simm.s32 $0x1BF5;
	[smem:$0x3FB6] =	sst s0  }
0x18: {  	s0 =	sld [smem:$0x3F99];
	_ =	swait.ge [sflag:s4], $0x0  }
0x19: {  	s7 =	sld [smem:$0x3F9A]  }
0x1a: {  	s8 =	sadd.s32 $0xFFFFE003, lr  }
0x1b: {  	s9 =	sadd.s32 $0xFFFFFEF7, lr;
	s5 =	simm.s32 $0xFFFFFFFF;
	p2 =	slt.u32 s8, $0xFFFFF086  }
0x1c: {  	p1 =	slt.u32 s9, $0xF7A;
	s5 =	simm.s32 @!p2 $0x0  }
0x1d: {  	s5 =	simm.s32 @p1 $0x1;
	p0 =	seq.s32 s7, s2  }
0x1e: {  	s7 =	smul.u32 @!p0 $0xF7A, s2;
	p2 =	seq.s32 @!p0 s5, $0x0  }
0x1f: {  	s9 =	smul.u32 $0xF7A, s1;
	s8 =	simm.s32 @!p0 $0x1BF5;
	p2 =	por !p2, p0  }
0x20: {  	[sflag:s8] =	ssyncset.s32 @!p0 $0xFFFFF086;
	s6 =	sadd.s32 @!p0 s3, s7;
	s7 =	simm.s32 @!p0 $0x108  }
0x21: {  	s3 =	sadd.s32 s3, s9;
	s6 =	sadd.s32 @!p0 $0x88, s6;
	s7 =	simm.s32 @p2 $0x1082  }
0x22: {  	[simem:s7], [sflag:s8] =	dma.local @!p0 [hbm:s6], $0xF7A  }
0x23: {  	s9 =	sor.u32 $0xD0000000, s2;
	s6 =	simm.s32 $0x108;
	_ =	swait.ge @!p0 [sflag:s8], $0x0  }
0x24: {  	s3 =	sadd.s32 $0x88, s3;
	s6 =	simm.s32 @!p1 $0x1082;
	[sflag:s4] =	ssyncset.s32 $0xFFFFF086  }
0x25: {  	[simem:s6], [sflag:s4] =	dma.local [hbm:s3], $0xF7A  }
0x26: {  	[smem:$0x3F9A] =	sst s1;
	(tag) =	ssettag s2;
	_ =	strace s9  }
0x27: {  	s1 =	sld [smem:$0x3FAA]  }
0x28: {  	s2 =	sld [smem:$0x3FAB]  }
0x29: {  	s4 =	sld [smem:$0x3FAD]  }
0x2a: {  	p0 =	seq.s32 s5, $0x0;
	s5 =	sld [smem:$0x3FAE]  }
0x2b: {  	s6 =	sld [smem:$0x3FAF]  }
0x2c: {  	s7 =	sld [smem:$0x3FB0]  }
0x2d: {  	s3 =	simm.s32 $0x108;
	s8 =	sld [smem:$0x3FB1]  }
0x2e: {  	s3 =	simm.s32 @!p0 $0x1082;
	s9 =	sld [smem:$0x3FB2]  }
0x2f: {  	lr =	sadd.s32 s0, s3;
	s0 =	sld [smem:$0x3FA9]  }
0x30: {  	s3 =	sld [smem:$0x3FAC]  }
0x31: {  	[smem:$0x3FB5] =	sst s10  }
0x32: {  	s10 =	sld [smem:$0x3FB3];
	_ =	sdelay $0x3  }
0x33: {  	p0 =	seq.s32 s10, $0x1;
	s10 =	sld [smem:$0x3FB5];
	_ =	sdelay $0x3  }
0x34: {  	[smem:$0x3FB5] =	sst s10  }
0x35: {  	s10 =	sld [smem:$0x3FB4];
	_ =	sdelay $0x3  }
0x36: {  	p1 =	seq.s32 s10, $0x1;
	s10 =	sld [smem:$0x3FB5];
	_ =	sdelay $0x3  }
0x37: {  	[smem:$0x3FB5] =	sst s10  }
0x38: {  	s10 =	sld [smem:$0x3FB6]  }
0x39: {  	_ = 	snop;
	(pc) =	sbr.ind lr, $3  }
0x3a: {  	_ = 	snop  }
0x3b: {  	_ = 	snop  }
0x3c: {  	p2 =	seq.s32 s10, $0x1;
	s10 =	sld [smem:$0x3FB5]  }
0x3d: {  	_ =	shalt  }
0x3e: {  	_ =	shalt  }
0x3f: {  	_ =	shalt  }
0x40: {  	_ =	shalt  }
0x41: {  	_ =	shalt  }
0x42: {  	_ =	shalt  }
0x43: {  	_ =	shalt  }
0x44: {  	_ =	shalt  }
0x45: {  	_ =	shalt  }
0x46: {  	_ =	shalt  }
0x47: {  	_ =	shalt  }
0x48: {  	_ =	shalt  }
0x49: {  	_ =	shalt  }
0x4a: {  	_ =	shalt  }
0x4b: {  	_ =	shalt  }
0x4c: {  	_ =	shalt  }
0x4d: {  	_ =	shalt  }
0x4e: {  	_ =	shalt  }
0x4f: {  	_ =	shalt  }
0x50: {  	_ =	shalt  }
0x51: {  	_ =	shalt  }
0x52: {  	_ =	shalt  }
0x53: {  	_ =	shalt  }
0x54: {  	_ =	shalt  }
0x55: {  	_ =	shalt  }
0x56: {  	_ =	shalt  }
0x57: {  	_ =	shalt  }
0x58: {  	_ =	shalt  }
0x59: {  	_ =	shalt  }
0x5a: {  	_ =	shalt  }
0x5b: {  	_ =	shalt  }
0x5c: {  	_ =	shalt  }
0x5d: {  	_ =	shalt  }
0x5e: {  	_ =	shalt  }
0x5f: {  	_ =	shalt  }
0x60: {  	_ =	shalt  }
0x61: {  	_ =	shalt  }
0x62: {  	_ =	shalt  }
0x63: {  	_ =	shalt  }
0x64: {  	_ =	shalt  }
0x65: {  	_ =	shalt  }
0x66: {  	_ =	shalt  }
0x67: {  	_ =	shalt  }
0x68: {  	_ =	shalt  }
0x69: {  	_ =	shalt  }
0x6a: {  	_ =	shalt  }
0x6b: {  	_ =	shalt  }
0x6c: {  	_ =	shalt  }
0x6d: {  	_ =	shalt  }
0x6e: {  	_ =	shalt  }
0x6f: {  	_ =	shalt  }
0x70: {  	_ =	shalt  }
0x71: {  	_ =	shalt  }
0x72: {  	_ =	shalt  }
0x73: {  	_ =	shalt  }
0x74: {  	_ =	shalt  }
0x75: {  	_ =	shalt  }
0x76: {  	_ =	shalt  }
0x77: {  	_ =	shalt  }
0x78: {  	_ =	shalt  }
0x79: {  	_ =	shalt  }
0x7a: {  	_ =	shalt  }
0x7b: {  	_ =	shalt  }
0x7c: {  	_ =	shalt  }
0x7d: {  	_ =	shalt  }
0x7e: {  	_ =	shalt  }
0x7f: {  	_ =	shalt  }
0x80: {  	_ =	shalt  }
0x81: {  	_ =	shalt  }
0x82: {  	_ =	shalt  }
0x83: {  	_ =	shalt  }
0x84: {  	_ =	shalt  }
0x85: {  	_ =	shalt  }
0x86: {  	_ =	shalt  }
0x87: {  	_ =	shalt  }
.Lfunc_end0:
.L_simem_size_0:
called_computation_lowered:
.L_overlay_start_0:
0x88: {  	s2 =	sld [smem:$0x3FD9]  }
0x89: {  	s3 =	sld [smem:$0x3FFE];
	_ =	sdelay $0x1  }
0x8a: {  	s1 =	srdreg.scid  }
0x8b: {  	s0 =	sand.u32 $0x1, s1  }
0x8c: {  	s17 =	sshll.u32 s0, $0xA;
	s2 =	sadd.s32 s3, s2  }
0x8d: {  	s2 =	sadd.s32 s2, s17  }
0x8e: {  	[smem:$0x3FC1] =	sst s2  }
0x8f: {  	_ = 	snop  }
0x90: {  	s2 =	sld [smem:$0x3FC9];
	(tm) =	ssettm $0x1  }
0x91: {  	s18 =	sld [smem:$0x3FFB];
	_ =	sdelay $0x3  }
0x92: {  	_ =	strace s18  }
0x93: {  	s3 =	sld [smem:$0x3FFC];
	_ =	sdelay $0x3  }
0x94: {  	_ =	strace s3  }
0x95: {  	s3 =	sld [smem:$0x3FFD];
	_ =	sdelay $0x3  }
0x96: {  	_ =	strace s3  }
0x97: {  	_ =	strace $0x8FFFFFFF  }
0x98: {  	s19 =	sld [smem:$0x3FDB];
	_ =	sdelay $0x1  }
0x99: {  	s4 =	simm.s32 $_scs_section_size  }
0x9a: {  	s5 =	simm.s32 $_size__tile_overlayer_lowered;
	s6 =	simm.s32 $_tile_overlayer_lowered  }
0x9b: {  	s22 =	simm.s32 $0x1BFF;
	s21 =	sshll.u32 s6, $0x1;
	s3 =	sadd.s32 s4, s19  }
0x9c: {  	s7 =	simm.s32 $0x0;
	s20 =	sshll.u32 s5, $0x1;
	s5 =	sadd.s32 s21, s3  }
0x9d: {  	[timem:s7], [sflag:s22] =	dma.local [hbm:s5], s20  }
0x9e: {  	_ =	swait.ge [sflag:s22], s20  }
0x9f: {  	s4 =	ssub.s32 $0x0, s20;
	[sflag:s22] =	ssyncset.done $0x0  }
0xa0: {  	[sflag:s22] =	ssyncadd.s32 s4;
	_ =	sdelay $0x1  }
0xa1: {  	s23 =	simm.s32 $0x1B8B  }
0xa2: {  	_ =	swait.ge [sflag:s23], $0x1  }
0xa3: {  	[sflag:s23] =	ssyncset.done $0x0  }
0xa4: {  	s25 =	simm.s32 $0x1B8E;
	s24 =	sld [smem:$0x3FFE];
	[sflag:s23] =	ssyncadd.s32 $0xFFFFFFFF  }
0xa5: {  	s26 =	simm.s32 $execute0_lowered;
	[smem:$0x3FD2] =	sst s25  }
0xa6: {  	s5 =	sshll.u32 s26, $0x1;
	_ =	strace $0x80000046;
	[dreg:$0x1] =	wrdreg $0xFFFFFFFF  }
0xa7: {  	s28 =	simm.s32 $_size_execute0_lowered;
	s3 =	sadd.s32 s3, s5;
	[dreg:$0x0] =	wrdreg $0x0  }
0xa8: {  	s5 =	sshll.u32 s28, $0x1;
	[dreg:$0x2] =	wrdreg s3  }
0xa9: {  	[dreg:$0x3] =	wrdreg s5  }
0xaa: {  	[dreg:$0x4] =	wrdreg $0xC0  }
0xab: {  	_ =	task [dreg:s7], $0x5FFFF  }
0xac: {  	[dreg:$0x1] =	wrdreg $0xFFFFFFFF  }
0xad: {  	[dreg:$0x0] =	wrdreg $0x60  }
0xae: {  	[dreg:$0x2] =	wrdreg s2  }
0xaf: {  	[dreg:$0x3] =	wrdreg s24  }
0xb0: {  	[dreg:$0x4] =	wrdreg $0x90000  }
0xb1: {  	[dreg:$0x5] =	wrdreg $0x9  }
0xb2: {  	_ =	task.clear_ibuf [dreg:s7], $0x6FFFF;
	_ =	strace $0x90000046  }
0xb3: {  	s29 =	simm.s32 $0x9;
	_ =	strace $0x80000048  }
0xb4: {  	_ =	swait.ge [sflag:s29], $0x1  }
0xb5: {  	[sflag:s29] =	ssyncadd.s32 $0xFFFFFFFF  }
0xb6: {  	_ =	strace $0x90000048  }
0xb7: {  	_ =	sfence  }
0xb8: {  	s30 =	sld [smem:$0x0];
	_ =	sdelay $0x2  }
0xb9: {  	s31 =	sshll.u32 s1, $0xD;
	s1 =	sshrl.u32 s1, $0x2  }
0xba: {  	s3 =	sand.u32 $0x4000, s31;
	s1 =	sadd.s32 s1, s30  }
0xbb: {  	s0 =	sor.u32 s3, s0;
	s1 =	sshll.u32 s1, $0x11  }
0xbc: {  	s0 =	sor.u32 s1, s0  }
0xbd: {  	s0 =	sadd.s32 $0x8F2B, s0  }
0xbe: {  	[sflag:s0] =	ssyncadd.remote.s32 $0x1  }
0xbf: {  	_ =	sfence.sel $0xFFFF  }
0xc0: {  	[dreg:$0x0] =	wrdreg $0xFFFFFFFF;
	(pc) =	sbr.abs _section_cstart, $3  }
0xc1: {  	[dreg:$0x1] =	wrdreg $0xFFFFFFFF  }
0xc2: {  	_ =	task.clear_ibuf [dreg:s7], $0x2FFFF;
	_ =	strace $0x9FFFFFFF  }
0xc3: {  	(tm) =	ssettm $0x7FFFFFFF  }
tec
execute0_lowered:
.L_overlay_start_1:
0x0: {  	(tag) =	ssettag $0x1  }
0x1: {  	s1 =	rddreg [dreg:$0x0];
	s2 =	srdreg.scid  }
0x2: {  	s0 =	rddreg [dreg:$0x1];
	s2 =	sand.u32 $0x1, s2  }
0x3: {  	s3 =	rddreg [dreg:$0x2];
	s8 =	stileid.u32;
	s5 =	sshll.u32 s2, $0x4  }
0x4: {  	s4 =	simm.s32 $0x0;
	s28 =	simm.s32 $0x2000;
	s5 =	sor.u32 s8, s5  }
0x5: {  	s29 =	simm.s32 $0x3;
	s30 =	simm.s32 $0x1000;
	s5 =	smul.u32 $0x5000, s5  }
0x6: {  	s31 =	simm.s32 $0x3000;
	s9 =	simm.s32 $0x3C00;
	s7 =	smul.u32 $0x14000, s8  }
0x7: {  	[smem:$0x7FF] =	sst s4;
	s21 =	smul.u32 $0x50000, s8;
	s5 =	sshrl.u32 s5, $0x3  }
0x8: {  	s6 =	smul.u32 $0x140000, s2;
	s2 =	ssub.s32 $0x2, s2;
	s5 =	sadd.s32 s5, s0  }
0x9: {  	_ =	strace $0x80000047;
	s16 =	sshrl.u32 s2, $0x1;
	s17 =	sadd.s32 $0x1A00, s5  }
0xa: {  	s8 =	simm.s32 $0x4;
	s18 =	sadd.s32 $0x15A00, s5;
	[dreg:$0x4] =	wrdreg s17  }
0xb: {  	s6 =	sadd.s32 s7, s6;
	s19 =	sadd.s32 $0x1C00, s5;
	[dreg:$0x5] =	wrdreg s18  }
0xc: {  	s2 =	ssub.s32 s2, s16;
	s20 =	sadd.s32 $0x15C00, s5;
	[dreg:$0x6] =	wrdreg s19  }
0xd: {  	s7 =	simm.s32 $0x2C00;
	s22 =	sadd.s32 $0x1E00, s5;
	[dreg:$0x7] =	wrdreg s20  }
0xe: {  	s6 =	sshrl.u32 s6, $0x3;
	s23 =	sadd.s32 $0x15E00, s5;
	[dreg:$0x8] =	wrdreg s22  }
0xf: {  	s0 =	sadd.s32 s6, s0;
	s24 =	sadd.s32 $0x2000, s5;
	[dreg:$0x9] =	wrdreg s23  }
0x10: {  	s6 =	sshrl.u32 s21, $0x2;
	s25 =	sadd.s32 $0x16000, s5;
	[dreg:$0xa] =	wrdreg s24  }
0x11: {  	s26 =	sadd.s32 $0x2200, s5;
	s5 =	sadd.s32 $0x16200, s5;
	[dreg:$0xb] =	wrdreg s25  }
0x12: {  	s15 =	sadd.s32 $0x29A00, s0;
	s16 =	sadd.s32 s6, s3;
	[dreg:$0xc] =	wrdreg s26  }
0x13: {  	s0 =	simm.s32 $0x50;
	s6 =	simm.s32 $0x2;
	[dreg:$0xd] =	wrdreg s5  }
0x14: {  	s17 =	smax.u32 s2, $0x1;
	s18 =	sadd.s32 $0x2800, s16;
	s19 =	sadd.s32 $0x5000, s16  }
0x15: {  	s20 =	sadd.s32 $0x7800, s16;
	s21 =	sadd.s32 $0xA000, s16;
	s22 =	sadd.s32 $0xC800, s16  }
0x16: {  	s23 =	sadd.s32 $0xF000, s16;
	s24 =	sadd.s32 $0x11800, s16;
	s25 =	simm.s32 $0x4000  }
0x17: {  	v0 =	vimm.f32 $0.0e+00;
	s26 =	simm.s32 $0x5;
	s2 =	simm.s32 $0x6800;
	s5 =	simm.s32 $0x1  }
.LBB2_1:
0x18: {  	s10 =	simm.s32 $0x70;
	s11 =	simm.s32 $0x3C0  }
.LBB2_2:
0x19: {  	p0 =	sne.s32 s11, $0x9FC0;
	[tilespmem:s10+$0x4000] =	vst v0  }
0x1a: {  	[tilespmem:s10+$0x3F90] =	vst v0  }
0x1b: {  	[tilespmem:s10+$0x3FA0] =	vst v0  }
.Ltmp0:
0x1c: {  	[tilespmem:s10+$0x3FB0] =	vst v0;
	(pc) =	sbr.rel @p0 .LBB2_2-.Ltmp0, $4  }
0x1d: {  	[tilespmem:s10+$0x3FC0] =	vst v0  }
0x1e: {  	[tilespmem:s10+$0x3FD0] =	vst v0  }
0x1f: {  	[tilespmem:s10+$0x3FE0] =	vst v0  }
0x20: {  	[tilespmem:s10+$0x3FF0] =	vst v0;
	s10 =	sshra.s32 s11, $0x2;
	s11 =	sadd.s32 $0x200, s11  }
0x21: {  	[tilespmem:s10+$0x4000] =	vst v0  }
0x22: {  	[tilespmem:s10+$0x3F90] =	vst v0  }
0x23: {  	[tilespmem:s10+$0x3FA0] =	vst v0  }
0x24: {  	[tilespmem:s10+$0x3FB0] =	vst v0  }
0x25: {  	[tilespmem:s10+$0x3FC0] =	vst v0  }
0x26: {  	[tilespmem:s10+$0x3FD0] =	vst v0  }
0x27: {  	[tilespmem:s10+$0x3FE0] =	vst v0  }
0x28: {  	[tilespmem:s10+$0x3FF0] =	vst v0  }
0x29: {  	[spmem:s16] =	stream.linear.scatter [tilespmem:s25], [sflag:$0x5], $0x2800, $0x38;
	[tilespmem:$0x1D000] =	vst v63  }
0x2a: {  	_ =	swait.ge [sflag:s26], $0x2800  }
0x2b: {  	[sflag:s26] =	ssyncset.done $0x0  }
0x2c: {  	[sflag:s26] =	ssyncadd.s32 $0xFFFFD800  }
0x2d: {  	[spmem:s18] =	stream.linear.scatter [tilespmem:s25], [sflag:$0x5], $0x2800, $0x38;
	[tilespmem:$0x1D000] =	vst v63  }
0x2e: {  	_ =	swait.ge [sflag:s26], $0x2800  }
0x2f: {  	[sflag:s26] =	ssyncset.done $0x0  }
0x30: {  	[sflag:s26] =	ssyncadd.s32 $0xFFFFD800  }
0x31: {  	[spmem:s19] =	stream.linear.scatter [tilespmem:s25], [sflag:$0x5], $0x2800, $0x38;
	[tilespmem:$0x1D000] =	vst v63  }
0x32: {  	_ =	swait.ge [sflag:s26], $0x2800  }
0x33: {  	[sflag:s26] =	ssyncset.done $0x0  }
0x34: {  	[sflag:s26] =	ssyncadd.s32 $0xFFFFD800  }
0x35: {  	[spmem:s20] =	stream.linear.scatter [tilespmem:s25], [sflag:$0x5], $0x2800, $0x38;
	[tilespmem:$0x1D000] =	vst v63  }
0x36: {  	_ =	swait.ge [sflag:s26], $0x2800  }
0x37: {  	[sflag:s26] =	ssyncset.done $0x0  }
0x38: {  	[sflag:s26] =	ssyncadd.s32 $0xFFFFD800  }
0x39: {  	[spmem:s21] =	stream.linear.scatter [tilespmem:s25], [sflag:$0x5], $0x2800, $0x38;
	[tilespmem:$0x1D000] =	vst v63  }
0x3a: {  	_ =	swait.ge [sflag:s26], $0x2800  }
0x3b: {  	[sflag:s26] =	ssyncset.done $0x0  }
0x3c: {  	[sflag:s26] =	ssyncadd.s32 $0xFFFFD800  }
0x3d: {  	[spmem:s22] =	stream.linear.scatter [tilespmem:s25], [sflag:$0x5], $0x2800, $0x38;
	[tilespmem:$0x1D000] =	vst v63  }
0x3e: {  	_ =	swait.ge [sflag:s26], $0x2800  }
0x3f: {  	[sflag:s26] =	ssyncset.done $0x0  }
0x40: {  	[sflag:s26] =	ssyncadd.s32 $0xFFFFD800  }
0x41: {  	[spmem:s23] =	stream.linear.scatter [tilespmem:s25], [sflag:$0x5], $0x2800, $0x38;
	[tilespmem:$0x1D000] =	vst v63  }
0x42: {  	_ =	swait.ge [sflag:s26], $0x2800  }
0x43: {  	[sflag:s26] =	ssyncset.done $0x0  }
0x44: {  	[sflag:s26] =	ssyncadd.s32 $0xFFFFD800  }
0x45: {  	[spmem:s24] =	stream.linear.scatter [tilespmem:s25], [sflag:$0x5], $0x2800, $0x38;
	[tilespmem:$0x1D000] =	vst v63  }
0x46: {  	_ =	swait.ge [sflag:s26], $0x2800  }
0x47: {  	[sflag:s26] =	ssyncset.done $0x0  }
0x48: {  	s10 =	simm.s32 $0x0;
	s11 =	rddreg [dreg:$0x4];
	[sflag:s26] =	ssyncadd.s32 $0xFFFFD800  }
0x49: {  	[tilespmem:s10], [sflag:$0x3] =	stream.linear.gather [hbm4b:s11+s10], $0xC80, $0x38;
	[tilespmem:$0x1D000] =	vst v63  }
0x4a: {  	s12 =	rddreg [dreg:$0x5]  }
0x4b: {  	[tilespmem:s28], [sflag:$0x3] =	stream.linear.gather [hbm4b:s12+s10], $0xC80, $0x38;
	[tilespmem:$0x1D000] =	vst v63  }
0x4c: {  	[bflag:$0x0] =	sbarrier.arrive $0xFFFF  }
0x4d: {  	_ =	swait.ge [sflag:s29], $0xC80  }
0x4e: {  	[sflag:s29] =	ssyncset.done $0x0  }
0x4f: {  	[sflag:s29] =	ssyncadd.s32 $0xFFFFF380  }
0x50: {  	_ =	swait.ge [sflag:s29], $0xC80  }
0x51: {  	[sflag:s29] =	ssyncset.done $0x0  }
0x52: {  	s13 =	rddreg [dreg:$0x6];
	[sflag:s29] =	ssyncadd.s32 $0xFFFFF380  }
0x53: {  	[tilespmem:s30], [sflag:$0x4] =	stream.linear.gather [hbm4b:s13+s10], $0xC80, $0x38;
	[tilespmem:$0x1D000] =	vst v63  }
0x54: {  	s14 =	rddreg [dreg:$0x7]  }
0x55: {  	[tilespmem:s31], [sflag:$0x4] =	stream.linear.gather [hbm4b:s14+s10], $0xC80, $0x38;
	[tilespmem:$0x1D000] =	vst v63  }
0x56: {  	_ = 	snop  }
0x57: {  	[tilespmem:s25], [sflag:$0x1] =	stream.indirect.gather [hbm4b:s1+s0], $0x80, s10, s0, $0xb8;
	[tilespmem:$0x1D000] =	vst v63  }
0x58: {  	s11 =	simm.s32 $0x80  }
0x59: {  	[tilespmem:s2], [sflag:$0x2] =	stream.indirect.gather [hbm4b:s1+s0], $0x80, s11, s0, $0xb8;
	[tilespmem:$0x1D000] =	vst v63  }
0x5a: {  	_ =	swait.ge [sflag:s5], $0x2800  }
0x5b: {  	[sflag:s5] =	ssyncset.done $0x0  }
0x5c: {  	s12 =	simm.s32 $0x2000;
	[sflag:s5] =	ssyncadd.s32 $0xFFFFD800  }
0x5d: {  	[spmem:s3] =	stream.indirect.scatter.add.f32 [tilespmem:s25], [sflag:$0x5], $0x80, s12, s0, $0xb8;
	[tilespmem:$0x1D000] =	vst v63  }
0x5e: {  	_ =	swait.ge [sflag:s26], $0x2800  }
0x5f: {  	[sflag:s26] =	ssyncset.done $0x0  }
0x60: {  	s13 =	simm.s32 $0x100;
	[sflag:s26] =	ssyncadd.s32 $0xFFFFD800  }
0x61: {  	[tilespmem:s25], [sflag:$0x1] =	stream.indirect.gather [hbm4b:s1+s0], $0x80, s13, s0, $0xb8;
	[tilespmem:$0x1D000] =	vst v63  }
0x62: {  	_ =	swait.ge [sflag:s6], $0x2800  }
0x63: {  	[sflag:s6] =	ssyncset.done $0x0  }
0x64: {  	s14 =	simm.s32 $0x2080;
	[sflag:s6] =	ssyncadd.s32 $0xFFFFD800  }
0x65: {  	[spmem:s3] =	stream.indirect.scatter.add.f32 [tilespmem:s2], [sflag:$0x5], $0x80, s14, s0, $0xb8;
	[tilespmem:$0x1D000] =	vst v63  }
0x66: {  	_ =	swait.ge [sflag:s26], $0x2800  }
0x67: {  	s10 =	simm.s32 $0x100;
	s11 =	simm.s32 $0x800;
	[sflag:s26] =	ssyncset.done $0x0  }
.LBB2_4:
0x68: {  	s12 =	sadd.s32 $0x80, s10  }
0x69: {  	[sflag:s26] =	ssyncadd.s32 $0xFFFFD800;
	s13 =	smov.u32 s11;
	s14 =	sadd.s32 $0x400, s11  }
0x6a: {  	[tilespmem:s2], [sflag:$0x2] =	stream.indirect.gather [hbm4b:s1+s0], $0x80, s12, s0, $0xb8;
	[tilespmem:$0x1D000] =	vst v63  }
0x6b: {  	p0 =	sne.s32 s11, $0x2C00;
	_ =	swait.ge [sflag:s5], $0x2800  }
0x6c: {  	[sflag:s5] =	ssyncset.done $0x0  }
0x6d: {  	s11 =	sadd.s32 $0x2000, s10;
	[sflag:s5] =	ssyncadd.s32 $0xFFFFD800  }
0x6e: {  	[spmem:s3] =	stream.indirect.scatter.add.f32 [tilespmem:s25], [sflag:$0x5], $0x80, s11, s0, $0xb8;
	[tilespmem:$0x1D000] =	vst v63  }
0x6f: {  	_ =	swait.ge [sflag:s26], $0x2800  }
0x70: {  	[sflag:s26] =	ssyncset.done $0x0  }
0x71: {  	s11 =	sadd.s32 $0x100, s10;
	[sflag:s26] =	ssyncadd.s32 $0xFFFFD800  }
0x72: {  	[tilespmem:s25], [sflag:$0x1] =	stream.indirect.gather [hbm4b:s1+s0], $0x80, s11, s0, $0xb8;
	[tilespmem:$0x1D000] =	vst v63  }
0x73: {  	_ =	swait.ge [sflag:s6], $0x2800  }
.Ltmp1:
0x74: {  	[sflag:s6] =	ssyncset.done $0x0;
	(pc) =	sbr.rel @p0 .LBB2_4-.Ltmp1, $4  }
0x75: {  	s10 =	sadd.s32 $0x2080, s10;
	[sflag:s6] =	ssyncadd.s32 $0xFFFFD800  }
0x76: {  	[spmem:s3] =	stream.indirect.scatter.add.f32 [tilespmem:s2], [sflag:$0x5], $0x80, s10, s0, $0xb8;
	[tilespmem:$0x1D000] =	vst v63  }
0x77: {  	_ =	swait.ge [sflag:s26], $0x2800  }
0x78: {  	s11 =	smov.u32 s14;
	s10 =	sshra.s32 s13, $0x2;
	[sflag:s26] =	ssyncset.done $0x0  }
0x79: {  	s11 =	sadd.s32 $0x80, s10;
	[sflag:s26] =	ssyncadd.s32 $0xFFFFD800  }
0x7a: {  	[tilespmem:s2], [sflag:$0x2] =	stream.indirect.gather [hbm4b:s1+s0], $0x80, s11, s0, $0xb8;
	[tilespmem:$0x1D000] =	vst v63  }
0x7b: {  	_ =	swait.ge [sflag:s5], $0x2800  }
0x7c: {  	[sflag:s5] =	ssyncset.done $0x0  }
0x7d: {  	s13 =	sadd.s32 $0x2000, s10;
	[sflag:s5] =	ssyncadd.s32 $0xFFFFD800  }
0x7e: {  	[spmem:s3] =	stream.indirect.scatter.add.f32 [tilespmem:s25], [sflag:$0x5], $0x80, s13, s0, $0xb8;
	[tilespmem:$0x1D000] =	vst v63  }
0x7f: {  	_ =	swait.ge [sflag:s26], $0x2800  }
0x80: {  	[sflag:s26] =	ssyncset.done $0x0  }
0x81: {  	s14 =	sadd.s32 $0x100, s10;
	[sflag:s26] =	ssyncadd.s32 $0xFFFFD800  }
0x82: {  	[tilespmem:s25], [sflag:$0x1] =	stream.indirect.gather [hbm4b:s1+s0], $0x80, s14, s0, $0xb8;
	[tilespmem:$0x1D000] =	vst v63  }
0x83: {  	_ =	swait.ge [sflag:s6], $0x2800  }
0x84: {  	[sflag:s6] =	ssyncset.done $0x0  }
0x85: {  	s11 =	sadd.s32 $0x2080, s10;
	[sflag:s6] =	ssyncadd.s32 $0xFFFFD800  }
0x86: {  	[spmem:s3] =	stream.indirect.scatter.add.f32 [tilespmem:s2], [sflag:$0x5], $0x80, s11, s0, $0xb8;
	[tilespmem:$0x1D000] =	vst v63  }
0x87: {  	_ =	swait.ge [sflag:s26], $0x2800  }
0x88: {  	[sflag:s26] =	ssyncset.done $0x0  }
0x89: {  	[sflag:s26] =	ssyncadd.s32 $0xFFFFD800  }
0x8a: {  	_ =	swait.ge [sflag:s5], $0x2800  }
0x8b: {  	[sflag:s5] =	ssyncset.done $0x0  }
0x8c: {  	[sflag:s5] =	ssyncadd.s32 $0xFFFFD800  }
0x8d: {  	[spmem:s3] =	stream.indirect.scatter.add.f32 [tilespmem:s25], [sflag:$0x5], $0x80, s7, s0, $0xb8;
	[tilespmem:$0x1D000] =	vst v63  }
0x8e: {  	_ =	swait.ge [sflag:s26], $0x2800  }
0x8f: {  	[sflag:s26] =	ssyncset.done $0x0  }
0x90: {  	[sflag:s26] =	ssyncadd.s32 $0xFFFFD800  }
0x91: {  	_ =	swait.ge [sflag:s8], $0xC80  }
0x92: {  	[sflag:s8] =	ssyncset.done $0x0  }
0x93: {  	[sflag:s8] =	ssyncadd.s32 $0xFFFFF380  }
0x94: {  	_ =	swait.ge [sflag:s8], $0xC80  }
0x95: {  	[sflag:s8] =	ssyncset.done $0x0  }
0x96: {  	s12 =	simm.s32 $0x0;
	s13 =	rddreg [dreg:$0x8];
	[sflag:s8] =	ssyncadd.s32 $0xFFFFF380  }
0x97: {  	[tilespmem:s12], [sflag:$0x3] =	stream.linear.gather [hbm4b:s13+s12], $0xC80, $0x38;
	[tilespmem:$0x1D000] =	vst v63  }
0x98: {  	s14 =	rddreg [dreg:$0x9]  }
0x99: {  	[tilespmem:s28], [sflag:$0x3] =	stream.linear.gather [hbm4b:s14+s12], $0xC80, $0x38;
	[tilespmem:$0x1D000] =	vst v63  }
0x9a: {  	_ = 	snop  }
0x9b: {  	[tilespmem:s25], [sflag:$0x1] =	stream.indirect.gather [hbm4b:s1+s0], $0x80, s30, s0, $0xb8;
	[tilespmem:$0x1D000] =	vst v63  }
0x9c: {  	s11 =	simm.s32 $0x1080  }
0x9d: {  	[tilespmem:s2], [sflag:$0x2] =	stream.indirect.gather [hbm4b:s1+s0], $0x80, s11, s0, $0xb8;
	[tilespmem:$0x1D000] =	vst v63  }
0x9e: {  	_ =	swait.ge [sflag:s5], $0x2800  }
0x9f: {  	[sflag:s5] =	ssyncset.done $0x0  }
0xa0: {  	s12 =	simm.s32 $0x3000;
	[sflag:s5] =	ssyncadd.s32 $0xFFFFD800  }
0xa1: {  	[spmem:s3] =	stream.indirect.scatter.add.f32 [tilespmem:s25], [sflag:$0x5], $0x80, s12, s0, $0xb8;
	[tilespmem:$0x1D000] =	vst v63  }
0xa2: {  	_ =	swait.ge [sflag:s26], $0x2800  }
0xa3: {  	[sflag:s26] =	ssyncset.done $0x0  }
0xa4: {  	s13 =	simm.s32 $0x1100;
	[sflag:s26] =	ssyncadd.s32 $0xFFFFD800  }
0xa5: {  	[tilespmem:s25], [sflag:$0x1] =	stream.indirect.gather [hbm4b:s1+s0], $0x80, s13, s0, $0xb8;
	[tilespmem:$0x1D000] =	vst v63  }
0xa6: {  	_ =	swait.ge [sflag:s6], $0x2800  }
0xa7: {  	[sflag:s6] =	ssyncset.done $0x0  }
0xa8: {  	s14 =	simm.s32 $0x3080;
	[sflag:s6] =	ssyncadd.s32 $0xFFFFD800  }
0xa9: {  	[spmem:s3] =	stream.indirect.scatter.add.f32 [tilespmem:s2], [sflag:$0x5], $0x80, s14, s0, $0xb8;
	[tilespmem:$0x1D000] =	vst v63  }
0xaa: {  	_ =	swait.ge [sflag:s26], $0x2800  }
0xab: {  	s10 =	simm.s32 $0x100;
	s11 =	simm.s32 $0x800;
	[sflag:s26] =	ssyncset.done $0x0  }
.LBB2_6:
0xac: {  	s12 =	sadd.s32 $0x1080, s10  }
0xad: {  	[sflag:s26] =	ssyncadd.s32 $0xFFFFD800;
	s13 =	smov.u32 s11;
	s14 =	sadd.s32 $0x400, s11  }
0xae: {  	[tilespmem:s2], [sflag:$0x2] =	stream.indirect.gather [hbm4b:s1+s0], $0x80, s12, s0, $0xb8;
	[tilespmem:$0x1D000] =	vst v63  }
0xaf: {  	p0 =	sne.s32 s11, $0x2C00;
	_ =	swait.ge [sflag:s5], $0x2800  }
0xb0: {  	[sflag:s5] =	ssyncset.done $0x0  }
0xb1: {  	s11 =	sadd.s32 $0x3000, s10;
	[sflag:s5] =	ssyncadd.s32 $0xFFFFD800  }
0xb2: {  	[spmem:s3] =	stream.indirect.scatter.add.f32 [tilespmem:s25], [sflag:$0x5], $0x80, s11, s0, $0xb8;
	[tilespmem:$0x1D000] =	vst v63  }
0xb3: {  	_ =	swait.ge [sflag:s26], $0x2800  }
0xb4: {  	[sflag:s26] =	ssyncset.done $0x0  }
0xb5: {  	s11 =	sadd.s32 $0x1100, s10;
	[sflag:s26] =	ssyncadd.s32 $0xFFFFD800  }
0xb6: {  	[tilespmem:s25], [sflag:$0x1] =	stream.indirect.gather [hbm4b:s1+s0], $0x80, s11, s0, $0xb8;
	[tilespmem:$0x1D000] =	vst v63  }
0xb7: {  	_ =	swait.ge [sflag:s6], $0x2800  }
.Ltmp2:
0xb8: {  	[sflag:s6] =	ssyncset.done $0x0;
	(pc) =	sbr.rel @p0 .LBB2_6-.Ltmp2, $4  }
0xb9: {  	s10 =	sadd.s32 $0x3080, s10;
	[sflag:s6] =	ssyncadd.s32 $0xFFFFD800  }
0xba: {  	[spmem:s3] =	stream.indirect.scatter.add.f32 [tilespmem:s2], [sflag:$0x5], $0x80, s10, s0, $0xb8;
	[tilespmem:$0x1D000] =	vst v63  }
0xbb: {  	_ =	swait.ge [sflag:s26], $0x2800  }
0xbc: {  	s11 =	smov.u32 s14;
	s10 =	sshra.s32 s13, $0x2;
	[sflag:s26] =	ssyncset.done $0x0  }
0xbd: {  	s11 =	sadd.s32 $0x1080, s10;
	[sflag:s26] =	ssyncadd.s32 $0xFFFFD800  }
0xbe: {  	[tilespmem:s2], [sflag:$0x2] =	stream.indirect.gather [hbm4b:s1+s0], $0x80, s11, s0, $0xb8;
	[tilespmem:$0x1D000] =	vst v63  }
0xbf: {  	_ =	swait.ge [sflag:s5], $0x2800  }
0xc0: {  	[sflag:s5] =	ssyncset.done $0x0  }
0xc1: {  	s13 =	sadd.s32 $0x3000, s10;
	[sflag:s5] =	ssyncadd.s32 $0xFFFFD800  }
0xc2: {  	[spmem:s3] =	stream.indirect.scatter.add.f32 [tilespmem:s25], [sflag:$0x5], $0x80, s13, s0, $0xb8;
	[tilespmem:$0x1D000] =	vst v63  }
0xc3: {  	_ =	swait.ge [sflag:s26], $0x2800  }
0xc4: {  	[sflag:s26] =	ssyncset.done $0x0  }
0xc5: {  	s14 =	sadd.s32 $0x1100, s10;
	[sflag:s26] =	ssyncadd.s32 $0xFFFFD800  }
0xc6: {  	[tilespmem:s25], [sflag:$0x1] =	stream.indirect.gather [hbm4b:s1+s0], $0x80, s14, s0, $0xb8;
	[tilespmem:$0x1D000] =	vst v63  }
0xc7: {  	_ =	swait.ge [sflag:s6], $0x2800  }
0xc8: {  	[sflag:s6] =	ssyncset.done $0x0  }
0xc9: {  	s11 =	sadd.s32 $0x3080, s10;
	[sflag:s6] =	ssyncadd.s32 $0xFFFFD800  }
0xca: {  	[spmem:s3] =	stream.indirect.scatter.add.f32 [tilespmem:s2], [sflag:$0x5], $0x80, s11, s0, $0xb8;
	[tilespmem:$0x1D000] =	vst v63  }
0xcb: {  	_ =	swait.ge [sflag:s26], $0x2800  }
0xcc: {  	[sflag:s26] =	ssyncset.done $0x0  }
0xcd: {  	[sflag:s26] =	ssyncadd.s32 $0xFFFFD800  }
0xce: {  	_ =	swait.ge [sflag:s5], $0x2800  }
0xcf: {  	[sflag:s5] =	ssyncset.done $0x0  }
0xd0: {  	[sflag:s5] =	ssyncadd.s32 $0xFFFFD800  }
0xd1: {  	[spmem:s3] =	stream.indirect.scatter.add.f32 [tilespmem:s25], [sflag:$0x5], $0x80, s9, s0, $0xb8;
	[tilespmem:$0x1D000] =	vst v63  }
0xd2: {  	_ =	swait.ge [sflag:s26], $0x2800  }
0xd3: {  	[sflag:s26] =	ssyncset.done $0x0  }
0xd4: {  	[sflag:s26] =	ssyncadd.s32 $0xFFFFD800  }
0xd5: {  	_ =	swait.ge [sflag:s29], $0xC80  }
0xd6: {  	[sflag:s29] =	ssyncset.done $0x0  }
0xd7: {  	[sflag:s29] =	ssyncadd.s32 $0xFFFFF380  }
0xd8: {  	_ =	swait.ge [sflag:s29], $0xC80  }
0xd9: {  	[sflag:s29] =	ssyncset.done $0x0  }
0xda: {  	s12 =	simm.s32 $0x0;
	s13 =	rddreg [dreg:$0xa];
	[sflag:s29] =	ssyncadd.s32 $0xFFFFF380  }
0xdb: {  	[tilespmem:s30], [sflag:$0x4] =	stream.linear.gather [hbm4b:s13+s12], $0xC80, $0x38;
	[tilespmem:$0x1D000] =	vst v63  }
0xdc: {  	s14 =	rddreg [dreg:$0xb]  }
0xdd: {  	[tilespmem:s31], [sflag:$0x4] =	stream.linear.gather [hbm4b:s14+s12], $0xC80, $0x38;
	[tilespmem:$0x1D000] =	vst v63  }
0xde: {  	_ = 	snop  }
0xdf: {  	[tilespmem:s25], [sflag:$0x1] =	stream.indirect.gather [hbm4b:s1+s0], $0x80, s12, s0, $0xb8;
	[tilespmem:$0x1D000] =	vst v63  }
0xe0: {  	s11 =	simm.s32 $0x80  }
0xe1: {  	[tilespmem:s2], [sflag:$0x2] =	stream.indirect.gather [hbm4b:s1+s0], $0x80, s11, s0, $0xb8;
	[tilespmem:$0x1D000] =	vst v63  }
0xe2: {  	_ =	swait.ge [sflag:s5], $0x2800  }
0xe3: {  	[sflag:s5] =	ssyncset.done $0x0  }
0xe4: {  	s12 =	simm.s32 $0x2000;
	[sflag:s5] =	ssyncadd.s32 $0xFFFFD800  }
0xe5: {  	[spmem:s3] =	stream.indirect.scatter.add.f32 [tilespmem:s25], [sflag:$0x5], $0x80, s12, s0, $0xb8;
	[tilespmem:$0x1D000] =	vst v63  }
0xe6: {  	_ =	swait.ge [sflag:s26], $0x2800  }
0xe7: {  	[sflag:s26] =	ssyncset.done $0x0  }
0xe8: {  	s13 =	simm.s32 $0x100;
	[sflag:s26] =	ssyncadd.s32 $0xFFFFD800  }
0xe9: {  	[tilespmem:s25], [sflag:$0x1] =	stream.indirect.gather [hbm4b:s1+s0], $0x80, s13, s0, $0xb8;
	[tilespmem:$0x1D000] =	vst v63  }
0xea: {  	_ =	swait.ge [sflag:s6], $0x2800  }
0xeb: {  	[sflag:s6] =	ssyncset.done $0x0  }
0xec: {  	s14 =	simm.s32 $0x2080;
	[sflag:s6] =	ssyncadd.s32 $0xFFFFD800  }
0xed: {  	[spmem:s3] =	stream.indirect.scatter.add.f32 [tilespmem:s2], [sflag:$0x5], $0x80, s14, s0, $0xb8;
	[tilespmem:$0x1D000] =	vst v63  }
0xee: {  	_ =	swait.ge [sflag:s26], $0x2800  }
0xef: {  	s10 =	simm.s32 $0x100;
	s11 =	simm.s32 $0x800;
	[sflag:s26] =	ssyncset.done $0x0  }
.LBB2_8:
0xf0: {  	s12 =	sadd.s32 $0x80, s10  }
0xf1: {  	[sflag:s26] =	ssyncadd.s32 $0xFFFFD800;
	s13 =	smov.u32 s11;
	s14 =	sadd.s32 $0x400, s11  }
0xf2: {  	[tilespmem:s2], [sflag:$0x2] =	stream.indirect.gather [hbm4b:s1+s0], $0x80, s12, s0, $0xb8;
	[tilespmem:$0x1D000] =	vst v63  }
0xf3: {  	p0 =	sne.s32 s11, $0x2C00;
	_ =	swait.ge [sflag:s5], $0x2800  }
0xf4: {  	[sflag:s5] =	ssyncset.done $0x0  }
0xf5: {  	s11 =	sadd.s32 $0x2000, s10;
	[sflag:s5] =	ssyncadd.s32 $0xFFFFD800  }
0xf6: {  	[spmem:s3] =	stream.indirect.scatter.add.f32 [tilespmem:s25], [sflag:$0x5], $0x80, s11, s0, $0xb8;
	[tilespmem:$0x1D000] =	vst v63  }
0xf7: {  	_ =	swait.ge [sflag:s26], $0x2800  }
0xf8: {  	[sflag:s26] =	ssyncset.done $0x0  }
0xf9: {  	s11 =	sadd.s32 $0x100, s10;
	[sflag:s26] =	ssyncadd.s32 $0xFFFFD800  }
0xfa: {  	[tilespmem:s25], [sflag:$0x1] =	stream.indirect.gather [hbm4b:s1+s0], $0x80, s11, s0, $0xb8;
	[tilespmem:$0x1D000] =	vst v63  }
0xfb: {  	_ =	swait.ge [sflag:s6], $0x2800  }
.Ltmp3:
0xfc: {  	[sflag:s6] =	ssyncset.done $0x0;
	(pc) =	sbr.rel @p0 .LBB2_8-.Ltmp3, $4  }
0xfd: {  	s10 =	sadd.s32 $0x2080, s10;
	[sflag:s6] =	ssyncadd.s32 $0xFFFFD800  }
0xfe: {  	[spmem:s3] =	stream.indirect.scatter.add.f32 [tilespmem:s2], [sflag:$0x5], $0x80, s10, s0, $0xb8;
	[tilespmem:$0x1D000] =	vst v63  }
0xff: {  	_ =	swait.ge [sflag:s26], $0x2800  }
0x100: {  	s11 =	smov.u32 s14;
	s10 =	sshra.s32 s13, $0x2;
	[sflag:s26] =	ssyncset.done $0x0  }
0x101: {  	s11 =	sadd.s32 $0x80, s10;
	[sflag:s26] =	ssyncadd.s32 $0xFFFFD800  }
0x102: {  	[tilespmem:s2], [sflag:$0x2] =	stream.indirect.gather [hbm4b:s1+s0], $0x80, s11, s0, $0xb8;
	[tilespmem:$0x1D000] =	vst v63  }
0x103: {  	_ =	swait.ge [sflag:s5], $0x2800  }
0x104: {  	[sflag:s5] =	ssyncset.done $0x0  }
0x105: {  	s13 =	sadd.s32 $0x2000, s10;
	[sflag:s5] =	ssyncadd.s32 $0xFFFFD800  }
0x106: {  	[spmem:s3] =	stream.indirect.scatter.add.f32 [tilespmem:s25], [sflag:$0x5], $0x80, s13, s0, $0xb8;
	[tilespmem:$0x1D000] =	vst v63  }
0x107: {  	_ =	swait.ge [sflag:s26], $0x2800  }
0x108: {  	[sflag:s26] =	ssyncset.done $0x0  }
0x109: {  	s14 =	sadd.s32 $0x100, s10;
	[sflag:s26] =	ssyncadd.s32 $0xFFFFD800  }
0x10a: {  	[tilespmem:s25], [sflag:$0x1] =	stream.indirect.gather [hbm4b:s1+s0], $0x80, s14, s0, $0xb8;
	[tilespmem:$0x1D000] =	vst v63  }
0x10b: {  	_ =	swait.ge [sflag:s6], $0x2800  }
0x10c: {  	[sflag:s6] =	ssyncset.done $0x0  }
0x10d: {  	s11 =	sadd.s32 $0x2080, s10;
	[sflag:s6] =	ssyncadd.s32 $0xFFFFD800  }
0x10e: {  	[spmem:s3] =	stream.indirect.scatter.add.f32 [tilespmem:s2], [sflag:$0x5], $0x80, s11, s0, $0xb8;
	[tilespmem:$0x1D000] =	vst v63  }
0x10f: {  	_ =	swait.ge [sflag:s26], $0x2800  }
0x110: {  	[sflag:s26] =	ssyncset.done $0x0  }
0x111: {  	[sflag:s26] =	ssyncadd.s32 $0xFFFFD800  }
0x112: {  	_ =	swait.ge [sflag:s5], $0x2800  }
0x113: {  	[sflag:s5] =	ssyncset.done $0x0  }
0x114: {  	[sflag:s5] =	ssyncadd.s32 $0xFFFFD800  }
0x115: {  	[spmem:s3] =	stream.indirect.scatter.add.f32 [tilespmem:s25], [sflag:$0x5], $0x80, s7, s0, $0xb8;
	[tilespmem:$0x1D000] =	vst v63  }
0x116: {  	_ =	swait.ge [sflag:s26], $0x2800  }
0x117: {  	[sflag:s26] =	ssyncset.done $0x0  }
0x118: {  	[sflag:s26] =	ssyncadd.s32 $0xFFFFD800  }
0x119: {  	_ =	swait.ge [sflag:s8], $0xC80  }
0x11a: {  	[sflag:s8] =	ssyncset.done $0x0  }
0x11b: {  	[sflag:s8] =	ssyncadd.s32 $0xFFFFF380  }
0x11c: {  	_ =	swait.ge [sflag:s8], $0xC80  }
0x11d: {  	[sflag:s8] =	ssyncset.done $0x0  }
0x11e: {  	s12 =	simm.s32 $0x0;
	s13 =	rddreg [dreg:$0xc];
	[sflag:s8] =	ssyncadd.s32 $0xFFFFF380  }
0x11f: {  	[tilespmem:s12], [sflag:$0x3] =	stream.linear.gather [hbm4b:s13+s12], $0xC80, $0x38;
	[tilespmem:$0x1D000] =	vst v63  }
0x120: {  	s14 =	rddreg [dreg:$0xd]  }
0x121: {  	[tilespmem:s28], [sflag:$0x3] =	stream.linear.gather [hbm4b:s14+s12], $0xC80, $0x38;
	[tilespmem:$0x1D000] =	vst v63  }
0x122: {  	_ = 	snop  }
0x123: {  	[tilespmem:s25], [sflag:$0x1] =	stream.indirect.gather [hbm4b:s1+s0], $0x80, s30, s0, $0xb8;
	[tilespmem:$0x1D000] =	vst v63  }
0x124: {  	s11 =	simm.s32 $0x1080  }
0x125: {  	[tilespmem:s2], [sflag:$0x2] =	stream.indirect.gather [hbm4b:s1+s0], $0x80, s11, s0, $0xb8;
	[tilespmem:$0x1D000] =	vst v63  }
0x126: {  	_ =	swait.ge [sflag:s5], $0x2800  }
0x127: {  	[sflag:s5] =	ssyncset.done $0x0  }
0x128: {  	s12 =	simm.s32 $0x3000;
	[sflag:s5] =	ssyncadd.s32 $0xFFFFD800  }
0x129: {  	[spmem:s3] =	stream.indirect.scatter.add.f32 [tilespmem:s25], [sflag:$0x5], $0x80, s12, s0, $0xb8;
	[tilespmem:$0x1D000] =	vst v63  }
0x12a: {  	_ =	swait.ge [sflag:s26], $0x2800  }
0x12b: {  	[sflag:s26] =	ssyncset.done $0x0  }
0x12c: {  	s13 =	simm.s32 $0x1100;
	[sflag:s26] =	ssyncadd.s32 $0xFFFFD800  }
0x12d: {  	[tilespmem:s25], [sflag:$0x1] =	stream.indirect.gather [hbm4b:s1+s0], $0x80, s13, s0, $0xb8;
	[tilespmem:$0x1D000] =	vst v63  }
0x12e: {  	_ =	swait.ge [sflag:s6], $0x2800  }
0x12f: {  	[sflag:s6] =	ssyncset.done $0x0  }
0x130: {  	s14 =	simm.s32 $0x3080;
	[sflag:s6] =	ssyncadd.s32 $0xFFFFD800  }
0x131: {  	[spmem:s3] =	stream.indirect.scatter.add.f32 [tilespmem:s2], [sflag:$0x5], $0x80, s14, s0, $0xb8;
	[tilespmem:$0x1D000] =	vst v63  }
0x132: {  	_ =	swait.ge [sflag:s26], $0x2800  }
0x133: {  	s10 =	simm.s32 $0x100;
	s11 =	simm.s32 $0x800;
	[sflag:s26] =	ssyncset.done $0x0  }
.LBB2_10:
0x134: {  	s12 =	sadd.s32 $0x1080, s10  }
0x135: {  	[sflag:s26] =	ssyncadd.s32 $0xFFFFD800;
	s13 =	smov.u32 s11;
	s14 =	sadd.s32 $0x400, s11  }
0x136: {  	[tilespmem:s2], [sflag:$0x2] =	stream.indirect.gather [hbm4b:s1+s0], $0x80, s12, s0, $0xb8;
	[tilespmem:$0x1D000] =	vst v63  }
0x137: {  	p0 =	sne.s32 s11, $0x2C00;
	_ =	swait.ge [sflag:s5], $0x2800  }
0x138: {  	[sflag:s5] =	ssyncset.done $0x0  }
0x139: {  	s11 =	sadd.s32 $0x3000, s10;
	[sflag:s5] =	ssyncadd.s32 $0xFFFFD800  }
0x13a: {  	[spmem:s3] =	stream.indirect.scatter.add.f32 [tilespmem:s25], [sflag:$0x5], $0x80, s11, s0, $0xb8;
	[tilespmem:$0x1D000] =	vst v63  }
0x13b: {  	_ =	swait.ge [sflag:s26], $0x2800  }
0x13c: {  	[sflag:s26] =	ssyncset.done $0x0  }
0x13d: {  	s11 =	sadd.s32 $0x1100, s10;
	[sflag:s26] =	ssyncadd.s32 $0xFFFFD800  }
0x13e: {  	[tilespmem:s25], [sflag:$0x1] =	stream.indirect.gather [hbm4b:s1+s0], $0x80, s11, s0, $0xb8;
	[tilespmem:$0x1D000] =	vst v63  }
0x13f: {  	_ =	swait.ge [sflag:s6], $0x2800  }
.Ltmp4:
0x140: {  	[sflag:s6] =	ssyncset.done $0x0;
	(pc) =	sbr.rel @p0 .LBB2_10-.Ltmp4, $4  }
0x141: {  	s10 =	sadd.s32 $0x3080, s10;
	[sflag:s6] =	ssyncadd.s32 $0xFFFFD800  }
0x142: {  	[spmem:s3] =	stream.indirect.scatter.add.f32 [tilespmem:s2], [sflag:$0x5], $0x80, s10, s0, $0xb8;
	[tilespmem:$0x1D000] =	vst v63  }
0x143: {  	_ =	swait.ge [sflag:s26], $0x2800  }
0x144: {  	s11 =	smov.u32 s14;
	s10 =	sshra.s32 s13, $0x2;
	[sflag:s26] =	ssyncset.done $0x0  }
0x145: {  	s11 =	sadd.s32 $0x1080, s10;
	[sflag:s26] =	ssyncadd.s32 $0xFFFFD800  }
0x146: {  	[tilespmem:s2], [sflag:$0x2] =	stream.indirect.gather [hbm4b:s1+s0], $0x80, s11, s0, $0xb8;
	[tilespmem:$0x1D000] =	vst v63  }
0x147: {  	_ =	swait.ge [sflag:s5], $0x2800  }
0x148: {  	[sflag:s5] =	ssyncset.done $0x0  }
0x149: {  	s14 =	sadd.s32 $0x3000, s10;
	[sflag:s5] =	ssyncadd.s32 $0xFFFFD800  }
0x14a: {  	[spmem:s3] =	stream.indirect.scatter.add.f32 [tilespmem:s25], [sflag:$0x5], $0x80, s14, s0, $0xb8;
	[tilespmem:$0x1D000] =	vst v63  }
0x14b: {  	_ =	swait.ge [sflag:s26], $0x2800  }
0x14c: {  	[sflag:s26] =	ssyncset.done $0x0  }
0x14d: {  	s12 =	sadd.s32 $0x1100, s10;
	[sflag:s26] =	ssyncadd.s32 $0xFFFFD800  }
0x14e: {  	[tilespmem:s25], [sflag:$0x1] =	stream.indirect.gather [hbm4b:s1+s0], $0x80, s12, s0, $0xb8;
	[tilespmem:$0x1D000] =	vst v63  }
0x14f: {  	_ =	swait.ge [sflag:s6], $0x2800  }
0x150: {  	[sflag:s6] =	ssyncset.done $0x0  }
0x151: {  	s13 =	sadd.s32 $0x3080, s10;
	[sflag:s6] =	ssyncadd.s32 $0xFFFFD800  }
0x152: {  	[spmem:s3] =	stream.indirect.scatter.add.f32 [tilespmem:s2], [sflag:$0x5], $0x80, s13, s0, $0xb8;
	[tilespmem:$0x1D000] =	vst v63  }
0x153: {  	_ =	swait.ge [sflag:s26], $0x2800  }
0x154: {  	[sflag:s26] =	ssyncset.done $0x0  }
0x155: {  	[sflag:s26] =	ssyncadd.s32 $0xFFFFD800  }
0x156: {  	_ =	swait.ge [sflag:s5], $0x2800  }
0x157: {  	[sflag:s5] =	ssyncset.done $0x0  }
0x158: {  	[sflag:s5] =	ssyncadd.s32 $0xFFFFD800  }
0x159: {  	[spmem:s3] =	stream.indirect.scatter.add.f32 [tilespmem:s25], [sflag:$0x5], $0x80, s9, s0, $0xb8;
	[tilespmem:$0x1D000] =	vst v63  }
0x15a: {  	_ =	swait.ge [sflag:s26], $0x2800  }
0x15b: {  	[sflag:s26] =	ssyncset.done $0x0  }
0x15c: {  	[sflag:s26] =	ssyncadd.s32 $0xFFFFD800  }
0x15d: {  	_ =	swait.ge [sflag:s29], $0xC80  }
0x15e: {  	[sflag:s29] =	ssyncset.done $0x0  }
0x15f: {  	[sflag:s29] =	ssyncadd.s32 $0xFFFFF380  }
0x160: {  	_ =	swait.ge [sflag:s29], $0xC80  }
0x161: {  	[sflag:s29] =	ssyncset.done $0x0  }
0x162: {  	s14 =	simm.s32 $0x0;
	[sflag:s29] =	ssyncadd.s32 $0xFFFFF380  }
0x163: {  	[tilespmem:s25], [sflag:$0x1] =	stream.indirect.gather [hbm4b:s1+s0], $0x80, s14, s0, $0xb8;
	[tilespmem:$0x1D000] =	vst v63  }
0x164: {  	s11 =	simm.s32 $0x80  }
0x165: {  	[tilespmem:s2], [sflag:$0x2] =	stream.indirect.gather [hbm4b:s1+s0], $0x80, s11, s0, $0xb8;
	[tilespmem:$0x1D000] =	vst v63  }
0x166: {  	_ =	swait.ge [sflag:s5], $0x2800  }
0x167: {  	[sflag:s5] =	ssyncset.done $0x0  }
0x168: {  	s12 =	simm.s32 $0x2000;
	[sflag:s5] =	ssyncadd.s32 $0xFFFFD800  }
0x169: {  	[spmem:s3] =	stream.indirect.scatter.add.f32 [tilespmem:s25], [sflag:$0x5], $0x80, s12, s0, $0xb8;
	[tilespmem:$0x1D000] =	vst v63  }
0x16a: {  	_ =	swait.ge [sflag:s26], $0x2800  }
0x16b: {  	[sflag:s26] =	ssyncset.done $0x0  }
0x16c: {  	s13 =	simm.s32 $0x100;
	[sflag:s26] =	ssyncadd.s32 $0xFFFFD800  }
0x16d: {  	[tilespmem:s25], [sflag:$0x1] =	stream.indirect.gather [hbm4b:s1+s0], $0x80, s13, s0, $0xb8;
	[tilespmem:$0x1D000] =	vst v63  }
0x16e: {  	_ =	swait.ge [sflag:s6], $0x2800  }
0x16f: {  	[sflag:s6] =	ssyncset.done $0x0  }
0x170: {  	s14 =	simm.s32 $0x2080;
	[sflag:s6] =	ssyncadd.s32 $0xFFFFD800  }
0x171: {  	[spmem:s3] =	stream.indirect.scatter.add.f32 [tilespmem:s2], [sflag:$0x5], $0x80, s14, s0, $0xb8;
	[tilespmem:$0x1D000] =	vst v63  }
0x172: {  	_ =	swait.ge [sflag:s26], $0x2800  }
0x173: {  	s10 =	simm.s32 $0x100;
	s11 =	simm.s32 $0x800;
	[sflag:s26] =	ssyncset.done $0x0  }
.LBB2_12:
0x174: {  	s12 =	sadd.s32 $0x80, s10  }
0x175: {  	[sflag:s26] =	ssyncadd.s32 $0xFFFFD800;
	s13 =	smov.u32 s11;
	s14 =	sadd.s32 $0x400, s11  }
0x176: {  	[tilespmem:s2], [sflag:$0x2] =	stream.indirect.gather [hbm4b:s1+s0], $0x80, s12, s0, $0xb8;
	[tilespmem:$0x1D000] =	vst v63  }
0x177: {  	p0 =	sne.s32 s11, $0x2C00;
	_ =	swait.ge [sflag:s5], $0x2800  }
0x178: {  	[sflag:s5] =	ssyncset.done $0x0  }
0x179: {  	s11 =	sadd.s32 $0x2000, s10;
	[sflag:s5] =	ssyncadd.s32 $0xFFFFD800  }
0x17a: {  	[spmem:s3] =	stream.indirect.scatter.add.f32 [tilespmem:s25], [sflag:$0x5], $0x80, s11, s0, $0xb8;
	[tilespmem:$0x1D000] =	vst v63  }
0x17b: {  	_ =	swait.ge [sflag:s26], $0x2800  }
0x17c: {  	[sflag:s26] =	ssyncset.done $0x0  }
0x17d: {  	s11 =	sadd.s32 $0x100, s10;
	[sflag:s26] =	ssyncadd.s32 $0xFFFFD800  }
0x17e: {  	[tilespmem:s25], [sflag:$0x1] =	stream.indirect.gather [hbm4b:s1+s0], $0x80, s11, s0, $0xb8;
	[tilespmem:$0x1D000] =	vst v63  }
0x17f: {  	_ =	swait.ge [sflag:s6], $0x2800  }
.Ltmp5:
0x180: {  	[sflag:s6] =	ssyncset.done $0x0;
	(pc) =	sbr.rel @p0 .LBB2_12-.Ltmp5, $4  }
0x181: {  	s10 =	sadd.s32 $0x2080, s10;
	[sflag:s6] =	ssyncadd.s32 $0xFFFFD800  }
0x182: {  	[spmem:s3] =	stream.indirect.scatter.add.f32 [tilespmem:s2], [sflag:$0x5], $0x80, s10, s0, $0xb8;
	[tilespmem:$0x1D000] =	vst v63  }
0x183: {  	_ =	swait.ge [sflag:s26], $0x2800  }
0x184: {  	s11 =	smov.u32 s14;
	s10 =	sshra.s32 s13, $0x2;
	[sflag:s26] =	ssyncset.done $0x0  }
0x185: {  	s11 =	sadd.s32 $0x80, s10;
	[sflag:s26] =	ssyncadd.s32 $0xFFFFD800  }
0x186: {  	[tilespmem:s2], [sflag:$0x2] =	stream.indirect.gather [hbm4b:s1+s0], $0x80, s11, s0, $0xb8;
	[tilespmem:$0x1D000] =	vst v63  }
0x187: {  	_ =	swait.ge [sflag:s5], $0x2800  }
0x188: {  	[sflag:s5] =	ssyncset.done $0x0  }
0x189: {  	s13 =	sadd.s32 $0x2000, s10;
	[sflag:s5] =	ssyncadd.s32 $0xFFFFD800  }
0x18a: {  	[spmem:s3] =	stream.indirect.scatter.add.f32 [tilespmem:s25], [sflag:$0x5], $0x80, s13, s0, $0xb8;
	[tilespmem:$0x1D000] =	vst v63  }
0x18b: {  	_ =	swait.ge [sflag:s26], $0x2800  }
0x18c: {  	[sflag:s26] =	ssyncset.done $0x0  }
0x18d: {  	s14 =	sadd.s32 $0x100, s10;
	[sflag:s26] =	ssyncadd.s32 $0xFFFFD800  }
0x18e: {  	[tilespmem:s25], [sflag:$0x1] =	stream.indirect.gather [hbm4b:s1+s0], $0x80, s14, s0, $0xb8;
	[tilespmem:$0x1D000] =	vst v63  }
0x18f: {  	_ =	swait.ge [sflag:s6], $0x2800  }
0x190: {  	[sflag:s6] =	ssyncset.done $0x0  }
0x191: {  	s12 =	sadd.s32 $0x2080, s10;
	[sflag:s6] =	ssyncadd.s32 $0xFFFFD800  }
0x192: {  	[spmem:s3] =	stream.indirect.scatter.add.f32 [tilespmem:s2], [sflag:$0x5], $0x80, s12, s0, $0xb8;
	[tilespmem:$0x1D000] =	vst v63  }
0x193: {  	_ =	swait.ge [sflag:s26], $0x2800  }
0x194: {  	[sflag:s26] =	ssyncset.done $0x0  }
0x195: {  	[sflag:s26] =	ssyncadd.s32 $0xFFFFD800  }
0x196: {  	_ =	swait.ge [sflag:s5], $0x2800  }
0x197: {  	[sflag:s5] =	ssyncset.done $0x0  }
0x198: {  	[sflag:s5] =	ssyncadd.s32 $0xFFFFD800  }
0x199: {  	[spmem:s3] =	stream.indirect.scatter.add.f32 [tilespmem:s25], [sflag:$0x5], $0x80, s7, s0, $0xb8;
	[tilespmem:$0x1D000] =	vst v63  }
0x19a: {  	s13 =	stileid.u32;
	_ =	swait.ge [sflag:s26], $0x2800  }
0x19b: {  	s4 =	sadd.s32 $0x1, s4;
	s10 =	sshll.u32 s13, $0x6;
	[sflag:s26] =	ssyncset.done $0x0  }
0x19c: {  	p0 =	sne.s32 s4, s17;
	s10 =	sor.u32 $0x1C05, s10;
	[sflag:s26] =	ssyncadd.s32 $0xFFFFD800  }
.Ltmp6:
0x19d: {  	s14 =	sshrl.u32 s16, $0x3;
	[bflag:$0x0] =	sbarrier.arrive $0xFFFF;
	(pc) =	sbr.rel @p0 .LBB2_1-.Ltmp6, $4  }
0x19e: {  	[hbm:s15], [sflag:s10] =	dma.local [spmem:s14], $0x2800  }
0x19f: {  	_ =	swait.ge [sflag:s26], $0x2800  }
0x1a0: {  	[sflag:s26] =	ssyncset.done $0x0  }
0x1a1: {  	[sflag:s26] =	ssyncadd.s32 $0xFFFFD800  }
0x1a2: {  	_ =	sfence.sel $0x180000  }
0x1a3: {  	[bflag:$0x0] =	sbarrier.arrive $0xFFFF  }
0x1a4: {  	_ =	strace $0x90000047  }
0x1a5: {  	s0 =	stileid.u32;
	[bflag:$0x2] =	sbarrier.arrive $0xFFFF  }
0x1a6: {  	p0 =	sne.s32 s0, $0x0;
	s0 =	rddreg [dreg:$0x3]  }
0x1a7: {  	s0 =	sadd.s32 @!p0 $0x100000, s0  }
0x1a8: {  	[sflag:s0] =	ssyncadd.tile.s32 @!p0 $0x1;
	_ =	shalt  }
.Lfunc_end2:
_tile_overlayer_lowered:
.L_overlay_start_2:
0x1a9: {  	(tag) =	ssettag $0x2  }
0x1aa: {  	s0 =	rddreg [dreg:$0x0];
	s2 =	stileid.u32  }
0x1ab: {  	s1 =	rddreg [dreg:$0x1];
	p0 =	sne.s32 s2, $0x0  }
0x1ac: {  	s3 =	rddreg [dreg:$0x2];
	[bflag:$0x3] =	sbarrier.arrive $0xFFFF;
	s2 =	simm.s32 @!p0 $0x1C05  }
0x1ad: {  	[timem:s3], [sflag:s2] =	dma.local @!p0 [hbm:s0], s1  }
0x1ae: {  	s0 =	simm.s32 @!p0 $0x5  }
0x1af: {  	_ =	swait.ge @!p0 [sflag:s0], s1  }
0x1b0: {  	s1 =	ssub.s32 @!p0 $0x0, s1;
	[sflag:s0] =	ssyncset.done @!p0 $0x0  }
0x1b1: {  	[sflag:s0] =	ssyncadd.s32 @!p0 s1  }
0x1b2: {  	[bflag:$0x3] =	sbarrier.arrive $0xFFFF  }
0x1b3: {  	_ =	shalt  }

</sc_bundles>
